<compile_context>
chip_gen: v7x
topology: tpu7x:2x2x1
jax: 0.10.2.dev20260603
libtpu: 0.0.44.dev20260713+nightly
codegen_flags: <defaults>
</compile_context>

<pallas_src>
import functools

import jax
import jax.numpy as jnp
from jax import lax
from jax.experimental import pallas as pl
from jax.experimental.pallas import tpu as pltpu
from jax.experimental.pallas import tpu_sc as plsc

N = 10000
E = 320000
D_IN = 128
DH = 64

NC = 2
NS = 16
NW = NC * NS

N_PAD = 10240
E_PAD = 327680
ROWS = E_PAD // 128
RPW = ROWS // NW
RPT = N_PAD // NS
NB = 2
DW = 16

@functools.lru_cache(maxsize=None)
def _sc_kernels():
  mesh = plsc.VectorSubcoreMesh(
      core_axis_name="c", subcore_axis_name="s", num_cores=NC)
  params = pltpu.CompilerParams(use_tc_tiling_on_sc=False)

  @functools.partial(
      pl.kernel,
      mesh=mesh,
      out_type=jax.ShapeDtypeStruct((NC, N_PAD, DW), jnp.float32),
      compiler_params=params,
      scratch_types=[
          pltpu.VMEM((RPW, 128), jnp.int32),
          pltpu.VMEM((128, DW), jnp.float32),
          pltpu.VMEM((128, DW), jnp.float32),
          pltpu.VMEM_SHARED((N_PAD, DW), jnp.float32),
      ],
  )
  def _deg_sc(dst_hbm, out_hbm, dst_v, ones_v, zero_v, dacc):
    c = lax.axis_index("c")
    s = lax.axis_index("s")
    w = c * NS + s

    def fill(i, _):
      ones_v[i] = jnp.full((16,), 1.0, jnp.float32)
      zero_v[i] = jnp.zeros((16,), jnp.float32)
      return _

    lax.fori_loop(0, 128, fill, 0)
    pltpu.sync_copy(dst_hbm.at[pl.ds(w * RPW, RPW)], dst_v)
    for k in range(RPT // 128):
      pltpu.sync_copy(zero_v, dacc.at[pl.ds(s * RPT + k * 128, 128)])
    plsc.subcore_barrier()

    def body(j, _):
      pltpu.sync_copy(ones_v, dacc.at[dst_v.at[j]], add=True)
      return _

    lax.fori_loop(0, RPW, body, 0)
    plsc.subcore_barrier()
    pltpu.sync_copy(dacc.at[pl.ds(s * RPT, RPT)],
                    out_hbm.at[c, pl.ds(s * RPT, RPT)])

  @functools.partial(
      pl.kernel,
      mesh=mesh,
      out_type=jax.ShapeDtypeStruct((NC, N_PAD, DH), jnp.float32),
      compiler_params=params,
      scratch_types=[
          pltpu.VMEM((RPW, 128), jnp.int32),
          pltpu.VMEM((RPW, 128), jnp.int32),
          [pltpu.VMEM((128, DH), jnp.float32) for _ in range(NB)],
          pltpu.VMEM_SHARED((N_PAD, DH), jnp.float32),
          pltpu.VMEM_SHARED((N_PAD, DH), jnp.float32),
          [pltpu.SemaphoreType.DMA for _ in range(NB)],
          [pltpu.SemaphoreType.DMA for _ in range(NB)],
      ],
  )
  def _prop_sc(hp_hbm, src_hbm, dst_hbm, out_hbm, src_v, dst_v, bufs,
               acc, tbl, gsems, ssems):
    c = lax.axis_index("c")
    s = lax.axis_index("s")

    w = c * NS + s

    for k in range(RPT // 128):
      pltpu.sync_copy(hp_hbm.at[pl.ds(s * RPT + k * 128, 128)], bufs[0])
      pltpu.sync_copy(bufs[0], acc.at[pl.ds(s * RPT + k * 128, 128)])
      pltpu.sync_copy(bufs[0], tbl.at[pl.ds(s * RPT + k * 128, 128)])
    pltpu.sync_copy(src_hbm.at[pl.ds(w * RPW, RPW)], src_v)
    pltpu.sync_copy(dst_hbm.at[pl.ds(w * RPW, RPW)], dst_v)
    plsc.subcore_barrier()

    for k in range(NB):
      pltpu.async_copy(tbl.at[src_v.at[k]], bufs[k], gsems[k])

    def body(i, carry):
      j = NB * i
      for k in range(NB):
        pltpu.make_async_copy(
            tbl.at[src_v.at[j + k]], bufs[k], gsems[k]).wait()
        pltpu.async_copy(bufs[k], acc.at[dst_v.at[j + k]], ssems[k], add=True)
      for k in range(NB):
        @pl.when(j + k + NB < RPW)
        def _(k=k, j=j):
          pltpu.make_async_copy(
              bufs[k], acc.at[dst_v.at[j + k]], ssems[k]).wait()
          pltpu.async_copy(tbl.at[src_v.at[j + k + NB]], bufs[k], gsems[k])
      return carry

    lax.fori_loop(0, RPW // NB, body, 0)
    for k in range(NB):
      pltpu.make_async_copy(
          bufs[k], acc.at[dst_v.at[RPW - NB + k]], ssems[k]).wait()
    plsc.subcore_barrier()
    pltpu.sync_copy(acc.at[pl.ds(s * RPT, RPT)],
                    out_hbm.at[c, pl.ds(s * RPT, RPT)])

  return _deg_sc, _prop_sc


def _dense1_body(x_ref, w1_ref, degp_ref, hp_ref, dis_ref):
    deg = degp_ref[0, :, 0:1] + degp_ref[1, :, 0:1] + 1.0
    dis = lax.rsqrt(deg)
    h = jnp.dot(x_ref[...], w1_ref[...], preferred_element_type=jnp.float32)
    hp = h * dis[0:N, :]
    hp_ref[...] = jnp.concatenate(
        [hp, jnp.zeros((N_PAD - N, DH), jnp.float32)], axis=0)
    dis_ref[...] = dis


def _dense2_body(p_ref, hp_ref, dis_ref, b_ref, w_ref, out_ref):
    p = p_ref[0] + p_ref[1]
    pre = (p - hp_ref[...]) * dis_ref[...] + b_ref[...]
    o = jnp.maximum(pre, 0.0)
    out_ref[...] = jnp.dot(o, w_ref[...],
                           preferred_element_type=jnp.float32) * dis_ref[...]


def _dense3_body(p_ref, hp_ref, dis_ref, b_ref, wfc_ref, bfc_ref, y_ref):
    p = p_ref[0] + p_ref[1]
    pre = (p - hp_ref[...]) * dis_ref[...] + b_ref[...]
    o = jnp.maximum(pre, 0.0)
    z = jnp.dot(o, wfc_ref[...], preferred_element_type=jnp.float32) + bfc_ref[...]
    z = z[0:N, :]
    y_ref[...] = 1.0 / (1.0 + jnp.exp(-z))


_dense1 = pl.pallas_call(
    _dense1_body,
    out_shape=[
        jax.ShapeDtypeStruct((N_PAD, DH), jnp.float32),
        jax.ShapeDtypeStruct((N_PAD, 1), jnp.float32),
    ],
)

_dense2 = pl.pallas_call(
    _dense2_body,
    out_shape=jax.ShapeDtypeStruct((N_PAD, DH), jnp.float32),
)

_dense3 = pl.pallas_call(
    _dense3_body,
    out_shape=jax.ShapeDtypeStruct((N, 1), jnp.float32),
)


def kernel(x, edge_index, W1, b1, W2, b2, Wfc, bfc):
    src = edge_index[0]
    dst = edge_index[1]
    pad = E_PAD - E
    src_r = jnp.concatenate(
        [src, jnp.zeros((pad,), jnp.int32)]).reshape(ROWS, 128)
    dst_r = jnp.concatenate(
        [dst, jnp.full((pad,), N, jnp.int32)]).reshape(ROWS, 128)

    _deg_sc, _prop_sc = _sc_kernels()
    degp = _deg_sc(dst_r)
    hp1, dis = _dense1(x, W1, degp)
    p1 = _prop_sc(hp1, src_r, dst_r)
    hp2 = _dense2(p1, hp1, dis, b1.reshape(1, DH), W2)
    p2 = _prop_sc(hp2, src_r, dst_r)
    return _dense3(p2, hp2, dis, b2.reshape(1, DH), Wfc, bfc.reshape(1, 1))

# --- scband reference (transcript-rebuilt; emitter-appended) ---
"""Pipeline reference for scband-gnnmodel-24936580121235 (READ-ONLY COPY).

The authoritative reference and input builder live on the scoring server;
editing this copy changes nothing except your own understanding.
"""

import jax, jax.numpy as jnp
import numpy as np

N = 10000
E = 320000
D_IN = 128
D_H = 64
D_OUT = 1


def setup_inputs(seed: int = 0) -> dict:
    key = jax.random.key(seed)
    ks = jax.random.split(key, 8)
    x = jax.random.normal(ks[0], (N, D_IN), dtype=jnp.float32)
    edge_index = jax.random.randint(ks[1], (2, E), 0, N, dtype=jnp.int32)
    W1 = jax.random.normal(ks[2], (D_IN, D_H), dtype=jnp.float32) * 0.05
    b1 = jnp.zeros((D_H,), dtype=jnp.float32)
    W2 = jax.random.normal(ks[3], (D_H, D_H), dtype=jnp.float32) * 0.05
    b2 = jnp.zeros((D_H,), dtype=jnp.float32)
    Wfc = jax.random.normal(ks[4], (D_H, D_OUT), dtype=jnp.float32) * 0.05
    bfc = jnp.zeros((D_OUT,), dtype=jnp.float32)
    return {"x": x, "edge_index": edge_index, "W1": W1, "b1": b1, "W2": W2, "b2": b2, "Wfc": Wfc, "bfc": bfc}


def _gcn_conv(x, edge_index, W, b):
    # PyG GCNConv: add self-loops, symmetric normalization D^-1/2 (A+I) D^-1/2 X W + b
    loop = jnp.arange(N, dtype=edge_index.dtype)
    src = jnp.concatenate([edge_index[0], loop])
    dst = jnp.concatenate([edge_index[1], loop])
    deg = jnp.zeros((N,), dtype=x.dtype).at[dst].add(1.0)
    deg_inv_sqrt = jnp.where(deg > 0, 1.0 / jnp.sqrt(deg), 0.0)
    norm = deg_inv_sqrt[src] * deg_inv_sqrt[dst]
    h = x @ W
    msg = h[src] * norm[:, None]
    out = jnp.zeros((N, W.shape[1]), dtype=x.dtype).at[dst].add(msg)
    return out + b


def reference(x, edge_index, W1, b1, W2, b2, Wfc, bfc):
    h = jax.nn.relu(_gcn_conv(x, edge_index, W1, b1))
    # dropout p=0.2 is identity in eval mode
    h = jax.nn.relu(_gcn_conv(h, edge_index, W2, b2))
    out = h @ Wfc + bfc
    return jax.nn.sigmoid(out)

if __name__ == "__main__":
    import jax
    _d = setup_inputs()
    print(jax.jit(kernel)(*tuple(_d.values())))

</pallas_src>

<mosaic_0001>
#map = affine_map<(d0, d1) -> (0, 0)>
#map1 = affine_map<(d0, d1) -> (0, 0, 0)>
module attributes {stable_mosaic.version = 14 : i64} {
  func.func @_prop_sc(%arg0: i32, %arg1: i32, %arg2: memref<10240x64xf32, #tpu.memory_space<hbm>>, %arg3: memref<2560x128xi32, #tpu.memory_space<hbm>>, %arg4: memref<2560x128xi32, #tpu.memory_space<hbm>>, %arg5: memref<2x10240x64xf32, #tpu.memory_space<hbm>>, %arg6: memref<80x128xi32, #tpu.memory_space<vmem>>, %arg7: memref<80x128xi32, #tpu.memory_space<vmem>>, %arg8: memref<128x64xf32, #tpu.memory_space<vmem>>, %arg9: memref<128x64xf32, #tpu.memory_space<vmem>>, %arg10: memref<10240x64xf32, #tpu.memory_space<vmem_shared>>, %arg11: memref<10240x64xf32, #tpu.memory_space<vmem_shared>>, %arg12: memref<!tpu.dma_semaphore, #tpu.memory_space<semaphore_mem>>, %arg13: memref<!tpu.dma_semaphore, #tpu.memory_space<semaphore_mem>>, %arg14: memref<!tpu.dma_semaphore, #tpu.memory_space<semaphore_mem>>, %arg15: memref<!tpu.dma_semaphore, #tpu.memory_space<semaphore_mem>>) attributes {dimension_semantics = [#tpu.dimension_semantics<core_parallel>, #tpu.dimension_semantics<subcore_parallel>], iteration_bounds = array<i64: 2, 16>, scalar_prefetch = 0 : i64, scratch_operands = 10 : i64, tpu.core_type = #tpu.core_type<sc_vector_subcore>, window_params = [{transform_indices = #map}, {transform_indices = #map}, {transform_indices = #map}, {transform_indices = #map1}]} {
    %mul3A = arith.constant 16 : i32
    %mul3A_0 = arith.muli %arg0, %mul3A : i32
    %add3A = arith.addi %mul3A_0, %arg1 : i32
    %mul3A_1 = arith.constant 640 : i32
    %mul3A_2 = arith.muli %arg1, %mul3A_1 : i32
    %add3A_3 = arith.constant 0 : i32
    %add3A_4 = arith.addi %mul3A_2, %add3A_3 : i32
    "tpu.region"() ({
      %run_scoped3A = tpu.sem_alloc : memref<!tpu.dma_semaphore, #tpu.memory_space<semaphore_mem>>
      %dma_start3A_101 = arith.constant 0 : i32
      %dma_start3A_102 = tpu.memref_slice %arg2[%add3A_4, %dma_start3A_101] : memref<10240x64xf32, #tpu.memory_space<hbm>> -> memref<128x64xf32, #tpu.memory_space<hbm>>
      %dma_start3A_103 = arith.constant 0 : i32
      %dma_start3A_104 = tpu.memref_slice %arg2[%add3A_4, %dma_start3A_103] : memref<10240x64xf32, #tpu.memory_space<hbm>> -> memref<128x64xf32, #tpu.memory_space<hbm>>
      tpu.enqueue_dma source(%dma_start3A_104 : memref<128x64xf32, #tpu.memory_space<hbm>>) target(%arg8 : memref<128x64xf32, #tpu.memory_space<vmem>>) target_semaphore(%run_scoped3A : memref<!tpu.dma_semaphore, #tpu.memory_space<semaphore_mem>>)
      %dma_wait3A_105 = arith.constant 0 : i32
      %dma_wait3A_106 = tpu.memref_slice %arg2[%add3A_4, %dma_wait3A_105] : memref<10240x64xf32, #tpu.memory_space<hbm>> -> memref<128x64xf32, #tpu.memory_space<hbm>>
      %dma_wait3A_107 = arith.constant 0 : i32
      %dma_wait3A_108 = tpu.memref_slice %arg2[%add3A_4, %dma_wait3A_107] : memref<10240x64xf32, #tpu.memory_space<hbm>> -> memref<128x64xf32, #tpu.memory_space<hbm>>
      tpu.wait_dma2 semaphore(%run_scoped3A : memref<!tpu.dma_semaphore, #tpu.memory_space<semaphore_mem>>) src(%dma_wait3A_108 : memref<128x64xf32, #tpu.memory_space<hbm>>) dst(%arg8 : memref<128x64xf32, #tpu.memory_space<vmem>>)
      tpu.yield
    }) : () -> ()
    %mul3A_5 = arith.constant 640 : i32
    %mul3A_6 = arith.muli %arg1, %mul3A_5 : i32
    %add3A_7 = arith.constant 0 : i32
    %add3A_8 = arith.addi %mul3A_6, %add3A_7 : i32
    "tpu.region"() ({
      %run_scoped3A = tpu.sem_alloc : memref<!tpu.dma_semaphore, #tpu.memory_space<semaphore_mem>>
      %dma_start3A_101 = arith.constant 0 : i32
      %dma_start3A_102 = tpu.memref_slice %arg10[%add3A_8, %dma_start3A_101] : memref<10240x64xf32, #tpu.memory_space<vmem_shared>> -> memref<128x64xf32, #tpu.memory_space<vmem_shared>>
      %dma_start3A_103 = arith.constant 0 : i32
      %dma_start3A_104 = tpu.memref_slice %arg10[%add3A_8, %dma_start3A_103] : memref<10240x64xf32, #tpu.memory_space<vmem_shared>> -> memref<128x64xf32, #tpu.memory_space<vmem_shared>>
      tpu.enqueue_dma source(%arg8 : memref<128x64xf32, #tpu.memory_space<vmem>>) target(%dma_start3A_104 : memref<128x64xf32, #tpu.memory_space<vmem_shared>>) target_semaphore(%run_scoped3A : memref<!tpu.dma_semaphore, #tpu.memory_space<semaphore_mem>>)
      %dma_wait3A_105 = arith.constant 0 : i32
      %dma_wait3A_106 = tpu.memref_slice %arg10[%add3A_8, %dma_wait3A_105] : memref<10240x64xf32, #tpu.memory_space<vmem_shared>> -> memref<128x64xf32, #tpu.memory_space<vmem_shared>>
      %dma_wait3A_107 = arith.constant 0 : i32
      %dma_wait3A_108 = tpu.memref_slice %arg10[%add3A_8, %dma_wait3A_107] : memref<10240x64xf32, #tpu.memory_space<vmem_shared>> -> memref<128x64xf32, #tpu.memory_space<vmem_shared>>
      tpu.wait_dma2 semaphore(%run_scoped3A : memref<!tpu.dma_semaphore, #tpu.memory_space<semaphore_mem>>) src(%arg8 : memref<128x64xf32, #tpu.memory_space<vmem>>) dst(%dma_wait3A_108 : memref<128x64xf32, #tpu.memory_space<vmem_shared>>)
      tpu.yield
    }) : () -> ()
    %mul3A_9 = arith.constant 640 : i32
    %mul3A_10 = arith.muli %arg1, %mul3A_9 : i32
    %add3A_11 = arith.constant 0 : i32
    %add3A_12 = arith.addi %mul3A_10, %add3A_11 : i32
    "tpu.region"() ({
      %run_scoped3A = tpu.sem_alloc : memref<!tpu.dma_semaphore, #tpu.memory_space<semaphore_mem>>
      %dma_start3A_101 = arith.constant 0 : i32
      %dma_start3A_102 = tpu.memref_slice %arg11[%add3A_12, %dma_start3A_101] : memref<10240x64xf32, #tpu.memory_space<vmem_shared>> -> memref<128x64xf32, #tpu.memory_space<vmem_shared>>
      %dma_start3A_103 = arith.constant 0 : i32
      %dma_start3A_104 = tpu.memref_slice %arg11[%add3A_12, %dma_start3A_103] : memref<10240x64xf32, #tpu.memory_space<vmem_shared>> -> memref<128x64xf32, #tpu.memory_space<vmem_shared>>
      tpu.enqueue_dma source(%arg8 : memref<128x64xf32, #tpu.memory_space<vmem>>) target(%dma_start3A_104 : memref<128x64xf32, #tpu.memory_space<vmem_shared>>) target_semaphore(%run_scoped3A : memref<!tpu.dma_semaphore, #tpu.memory_space<semaphore_mem>>)
      %dma_wait3A_105 = arith.constant 0 : i32
      %dma_wait3A_106 = tpu.memref_slice %arg11[%add3A_12, %dma_wait3A_105] : memref<10240x64xf32, #tpu.memory_space<vmem_shared>> -> memref<128x64xf32, #tpu.memory_space<vmem_shared>>
      %dma_wait3A_107 = arith.constant 0 : i32
      %dma_wait3A_108 = tpu.memref_slice %arg11[%add3A_12, %dma_wait3A_107] : memref<10240x64xf32, #tpu.memory_space<vmem_shared>> -> memref<128x64xf32, #tpu.memory_space<vmem_shared>>
      tpu.wait_dma2 semaphore(%run_scoped3A : memref<!tpu.dma_semaphore, #tpu.memory_space<semaphore_mem>>) src(%arg8 : memref<128x64xf32, #tpu.memory_space<vmem>>) dst(%dma_wait3A_108 : memref<128x64xf32, #tpu.memory_space<vmem_shared>>)
      tpu.yield
    }) : () -> ()
    %mul3A_13 = arith.constant 640 : i32
    %mul3A_14 = arith.muli %arg1, %mul3A_13 : i32
    %add3A_15 = arith.constant 128 : i32
    %add3A_16 = arith.addi %mul3A_14, %add3A_15 : i32
    "tpu.region"() ({
      %run_scoped3A = tpu.sem_alloc : memref<!tpu.dma_semaphore, #tpu.memory_space<semaphore_mem>>
      %dma_start3A_101 = arith.constant 0 : i32
      %dma_start3A_102 = tpu.memref_slice %arg2[%add3A_16, %dma_start3A_101] : memref<10240x64xf32, #tpu.memory_space<hbm>> -> memref<128x64xf32, #tpu.memory_space<hbm>>
      %dma_start3A_103 = arith.constant 0 : i32
      %dma_start3A_104 = tpu.memref_slice %arg2[%add3A_16, %dma_start3A_103] : memref<10240x64xf32, #tpu.memory_space<hbm>> -> memref<128x64xf32, #tpu.memory_space<hbm>>
      tpu.enqueue_dma source(%dma_start3A_104 : memref<128x64xf32, #tpu.memory_space<hbm>>) target(%arg8 : memref<128x64xf32, #tpu.memory_space<vmem>>) target_semaphore(%run_scoped3A : memref<!tpu.dma_semaphore, #tpu.memory_space<semaphore_mem>>)
      %dma_wait3A_105 = arith.constant 0 : i32
      %dma_wait3A_106 = tpu.memref_slice %arg2[%add3A_16, %dma_wait3A_105] : memref<10240x64xf32, #tpu.memory_space<hbm>> -> memref<128x64xf32, #tpu.memory_space<hbm>>
      %dma_wait3A_107 = arith.constant 0 : i32
      %dma_wait3A_108 = tpu.memref_slice %arg2[%add3A_16, %dma_wait3A_107] : memref<10240x64xf32, #tpu.memory_space<hbm>> -> memref<128x64xf32, #tpu.memory_space<hbm>>
      tpu.wait_dma2 semaphore(%run_scoped3A : memref<!tpu.dma_semaphore, #tpu.memory_space<semaphore_mem>>) src(%dma_wait3A_108 : memref<128x64xf32, #tpu.memory_space<hbm>>) dst(%arg8 : memref<128x64xf32, #tpu.memory_space<vmem>>)
      tpu.yield
    }) : () -> ()
    %mul3A_17 = arith.constant 640 : i32
    %mul3A_18 = arith.muli %arg1, %mul3A_17 : i32
    %add3A_19 = arith.constant 128 : i32
    %add3A_20 = arith.addi %mul3A_18, %add3A_19 : i32
    "tpu.region"() ({
      %run_scoped3A = tpu.sem_alloc : memref<!tpu.dma_semaphore, #tpu.memory_space<semaphore_mem>>
      %dma_start3A_101 = arith.constant 0 : i32
      %dma_start3A_102 = tpu.memref_slice %arg10[%add3A_20, %dma_start3A_101] : memref<10240x64xf32, #tpu.memory_space<vmem_shared>> -> memref<128x64xf32, #tpu.memory_space<vmem_shared>>
      %dma_start3A_103 = arith.constant 0 : i32
      %dma_start3A_104 = tpu.memref_slice %arg10[%add3A_20, %dma_start3A_103] : memref<10240x64xf32, #tpu.memory_space<vmem_shared>> -> memref<128x64xf32, #tpu.memory_space<vmem_shared>>
      tpu.enqueue_dma source(%arg8 : memref<128x64xf32, #tpu.memory_space<vmem>>) target(%dma_start3A_104 : memref<128x64xf32, #tpu.memory_space<vmem_shared>>) target_semaphore(%run_scoped3A : memref<!tpu.dma_semaphore, #tpu.memory_space<semaphore_mem>>)
      %dma_wait3A_105 = arith.constant 0 : i32
      %dma_wait3A_106 = tpu.memref_slice %arg10[%add3A_20, %dma_wait3A_105] : memref<10240x64xf32, #tpu.memory_space<vmem_shared>> -> memref<128x64xf32, #tpu.memory_space<vmem_shared>>
      %dma_wait3A_107 = arith.constant 0 : i32
      %dma_wait3A_108 = tpu.memref_slice %arg10[%add3A_20, %dma_wait3A_107] : memref<10240x64xf32, #tpu.memory_space<vmem_shared>> -> memref<128x64xf32, #tpu.memory_space<vmem_shared>>
      tpu.wait_dma2 semaphore(%run_scoped3A : memref<!tpu.dma_semaphore, #tpu.memory_space<semaphore_mem>>) src(%arg8 : memref<128x64xf32, #tpu.memory_space<vmem>>) dst(%dma_wait3A_108 : memref<128x64xf32, #tpu.memory_space<vmem_shared>>)
      tpu.yield
    }) : () -> ()
    %mul3A_21 = arith.constant 640 : i32
    %mul3A_22 = arith.muli %arg1, %mul3A_21 : i32
    %add3A_23 = arith.constant 128 : i32
    %add3A_24 = arith.addi %mul3A_22, %add3A_23 : i32
    "tpu.region"() ({
      %run_scoped3A = tpu.sem_alloc : memref<!tpu.dma_semaphore, #tpu.memory_space<semaphore_mem>>
      %dma_start3A_101 = arith.constant 0 : i32
      %dma_start3A_102 = tpu.memref_slice %arg11[%add3A_24, %dma_start3A_101] : memref<10240x64xf32, #tpu.memory_space<vmem_shared>> -> memref<128x64xf32, #tpu.memory_space<vmem_shared>>
      %dma_start3A_103 = arith.constant 0 : i32
      %dma_start3A_104 = tpu.memref_slice %arg11[%add3A_24, %dma_start3A_103] : memref<10240x64xf32, #tpu.memory_space<vmem_shared>> -> memref<128x64xf32, #tpu.memory_space<vmem_shared>>
      tpu.enqueue_dma source(%arg8 : memref<128x64xf32, #tpu.memory_space<vmem>>) target(%dma_start3A_104 : memref<128x64xf32, #tpu.memory_space<vmem_shared>>) target_semaphore(%run_scoped3A : memref<!tpu.dma_semaphore, #tpu.memory_space<semaphore_mem>>)
      %dma_wait3A_105 = arith.constant 0 : i32
      %dma_wait3A_106 = tpu.memref_slice %arg11[%add3A_24, %dma_wait3A_105] : memref<10240x64xf32, #tpu.memory_space<vmem_shared>> -> memref<128x64xf32, #tpu.memory_space<vmem_shared>>
      %dma_wait3A_107 = arith.constant 0 : i32
      %dma_wait3A_108 = tpu.memref_slice %arg11[%add3A_24, %dma_wait3A_107] : memref<10240x64xf32, #tpu.memory_space<vmem_shared>> -> memref<128x64xf32, #tpu.memory_space<vmem_shared>>
      tpu.wait_dma2 semaphore(%run_scoped3A : memref<!tpu.dma_semaphore, #tpu.memory_space<semaphore_mem>>) src(%arg8 : memref<128x64xf32, #tpu.memory_space<vmem>>) dst(%dma_wait3A_108 : memref<128x64xf32, #tpu.memory_space<vmem_shared>>)
      tpu.yield
    }) : () -> ()
    %mul3A_25 = arith.constant 640 : i32
    %mul3A_26 = arith.muli %arg1, %mul3A_25 : i32
    %add3A_27 = arith.constant 256 : i32
    %add3A_28 = arith.addi %mul3A_26, %add3A_27 : i32
    "tpu.region"() ({
      %run_scoped3A = tpu.sem_alloc : memref<!tpu.dma_semaphore, #tpu.memory_space<semaphore_mem>>
      %dma_start3A_101 = arith.constant 0 : i32
      %dma_start3A_102 = tpu.memref_slice %arg2[%add3A_28, %dma_start3A_101] : memref<10240x64xf32, #tpu.memory_space<hbm>> -> memref<128x64xf32, #tpu.memory_space<hbm>>
      %dma_start3A_103 = arith.constant 0 : i32
      %dma_start3A_104 = tpu.memref_slice %arg2[%add3A_28, %dma_start3A_103] : memref<10240x64xf32, #tpu.memory_space<hbm>> -> memref<128x64xf32, #tpu.memory_space<hbm>>
      tpu.enqueue_dma source(%dma_start3A_104 : memref<128x64xf32, #tpu.memory_space<hbm>>) target(%arg8 : memref<128x64xf32, #tpu.memory_space<vmem>>) target_semaphore(%run_scoped3A : memref<!tpu.dma_semaphore, #tpu.memory_space<semaphore_mem>>)
      %dma_wait3A_105 = arith.constant 0 : i32
      %dma_wait3A_106 = tpu.memref_slice %arg2[%add3A_28, %dma_wait3A_105] : memref<10240x64xf32, #tpu.memory_space<hbm>> -> memref<128x64xf32, #tpu.memory_space<hbm>>
      %dma_wait3A_107 = arith.constant 0 : i32
      %dma_wait3A_108 = tpu.memref_slice %arg2[%add3A_28, %dma_wait3A_107] : memref<10240x64xf32, #tpu.memory_space<hbm>> -> memref<128x64xf32, #tpu.memory_space<hbm>>
      tpu.wait_dma2 semaphore(%run_scoped3A : memref<!tpu.dma_semaphore, #tpu.memory_space<semaphore_mem>>) src(%dma_wait3A_108 : memref<128x64xf32, #tpu.memory_space<hbm>>) dst(%arg8 : memref<128x64xf32, #tpu.memory_space<vmem>>)
      tpu.yield
    }) : () -> ()
    %mul3A_29 = arith.constant 640 : i32
    %mul3A_30 = arith.muli %arg1, %mul3A_29 : i32
    %add3A_31 = arith.constant 256 : i32
    %add3A_32 = arith.addi %mul3A_30, %add3A_31 : i32
    "tpu.region"() ({
      %run_scoped3A = tpu.sem_alloc : memref<!tpu.dma_semaphore, #tpu.memory_space<semaphore_mem>>
      %dma_start3A_101 = arith.constant 0 : i32
      %dma_start3A_102 = tpu.memref_slice %arg10[%add3A_32, %dma_start3A_101] : memref<10240x64xf32, #tpu.memory_space<vmem_shared>> -> memref<128x64xf32, #tpu.memory_space<vmem_shared>>
      %dma_start3A_103 = arith.constant 0 : i32
      %dma_start3A_104 = tpu.memref_slice %arg10[%add3A_32, %dma_start3A_103] : memref<10240x64xf32, #tpu.memory_space<vmem_shared>> -> memref<128x64xf32, #tpu.memory_space<vmem_shared>>
      tpu.enqueue_dma source(%arg8 : memref<128x64xf32, #tpu.memory_space<vmem>>) target(%dma_start3A_104 : memref<128x64xf32, #tpu.memory_space<vmem_shared>>) target_semaphore(%run_scoped3A : memref<!tpu.dma_semaphore, #tpu.memory_space<semaphore_mem>>)
      %dma_wait3A_105 = arith.constant 0 : i32
      %dma_wait3A_106 = tpu.memref_slice %arg10[%add3A_32, %dma_wait3A_105] : memref<10240x64xf32, #tpu.memory_space<vmem_shared>> -> memref<128x64xf32, #tpu.memory_space<vmem_shared>>
      %dma_wait3A_107 = arith.constant 0 : i32
      %dma_wait3A_108 = tpu.memref_slice %arg10[%add3A_32, %dma_wait3A_107] : memref<10240x64xf32, #tpu.memory_space<vmem_shared>> -> memref<128x64xf32, #tpu.memory_space<vmem_shared>>
      tpu.wait_dma2 semaphore(%run_scoped3A : memref<!tpu.dma_semaphore, #tpu.memory_space<semaphore_mem>>) src(%arg8 : memref<128x64xf32, #tpu.memory_space<vmem>>) dst(%dma_wait3A_108 : memref<128x64xf32, #tpu.memory_space<vmem_shared>>)
      tpu.yield
    }) : () -> ()
    %mul3A_33 = arith.constant 640 : i32
    %mul3A_34 = arith.muli %arg1, %mul3A_33 : i32
    %add3A_35 = arith.constant 256 : i32
    %add3A_36 = arith.addi %mul3A_34, %add3A_35 : i32
    "tpu.region"() ({
      %run_scoped3A = tpu.sem_alloc : memref<!tpu.dma_semaphore, #tpu.memory_space<semaphore_mem>>
      %dma_start3A_101 = arith.constant 0 : i32
      %dma_start3A_102 = tpu.memref_slice %arg11[%add3A_36, %dma_start3A_101] : memref<10240x64xf32, #tpu.memory_space<vmem_shared>> -> memref<128x64xf32, #tpu.memory_space<vmem_shared>>
      %dma_start3A_103 = arith.constant 0 : i32
      %dma_start3A_104 = tpu.memref_slice %arg11[%add3A_36, %dma_start3A_103] : memref<10240x64xf32, #tpu.memory_space<vmem_shared>> -> memref<128x64xf32, #tpu.memory_space<vmem_shared>>
      tpu.enqueue_dma source(%arg8 : memref<128x64xf32, #tpu.memory_space<vmem>>) target(%dma_start3A_104 : memref<128x64xf32, #tpu.memory_space<vmem_shared>>) target_semaphore(%run_scoped3A : memref<!tpu.dma_semaphore, #tpu.memory_space<semaphore_mem>>)
      %dma_wait3A_105 = arith.constant 0 : i32
      %dma_wait3A_106 = tpu.memref_slice %arg11[%add3A_36, %dma_wait3A_105] : memref<10240x64xf32, #tpu.memory_space<vmem_shared>> -> memref<128x64xf32, #tpu.memory_space<vmem_shared>>
      %dma_wait3A_107 = arith.constant 0 : i32
      %dma_wait3A_108 = tpu.memref_slice %arg11[%add3A_36, %dma_wait3A_107] : memref<10240x64xf32, #tpu.memory_space<vmem_shared>> -> memref<128x64xf32, #tpu.memory_space<vmem_shared>>
      tpu.wait_dma2 semaphore(%run_scoped3A : memref<!tpu.dma_semaphore, #tpu.memory_space<semaphore_mem>>) src(%arg8 : memref<128x64xf32, #tpu.memory_space<vmem>>) dst(%dma_wait3A_108 : memref<128x64xf32, #tpu.memory_space<vmem_shared>>)
      tpu.yield
    }) : () -> ()
    %mul3A_37 = arith.constant 640 : i32
    %mul3A_38 = arith.muli %arg1, %mul3A_37 : i32
    %add3A_39 = arith.constant 384 : i32
    %add3A_40 = arith.addi %mul3A_38, %add3A_39 : i32
    "tpu.region"() ({
      %run_scoped3A = tpu.sem_alloc : memref<!tpu.dma_semaphore, #tpu.memory_space<semaphore_mem>>
      %dma_start3A_101 = arith.constant 0 : i32
      %dma_start3A_102 = tpu.memref_slice %arg2[%add3A_40, %dma_start3A_101] : memref<10240x64xf32, #tpu.memory_space<hbm>> -> memref<128x64xf32, #tpu.memory_space<hbm>>
      %dma_start3A_103 = arith.constant 0 : i32
      %dma_start3A_104 = tpu.memref_slice %arg2[%add3A_40, %dma_start3A_103] : memref<10240x64xf32, #tpu.memory_space<hbm>> -> memref<128x64xf32, #tpu.memory_space<hbm>>
      tpu.enqueue_dma source(%dma_start3A_104 : memref<128x64xf32, #tpu.memory_space<hbm>>) target(%arg8 : memref<128x64xf32, #tpu.memory_space<vmem>>) target_semaphore(%run_scoped3A : memref<!tpu.dma_semaphore, #tpu.memory_space<semaphore_mem>>)
      %dma_wait3A_105 = arith.constant 0 : i32
      %dma_wait3A_106 = tpu.memref_slice %arg2[%add3A_40, %dma_wait3A_105] : memref<10240x64xf32, #tpu.memory_space<hbm>> -> memref<128x64xf32, #tpu.memory_space<hbm>>
      %dma_wait3A_107 = arith.constant 0 : i32
      %dma_wait3A_108 = tpu.memref_slice %arg2[%add3A_40, %dma_wait3A_107] : memref<10240x64xf32, #tpu.memory_space<hbm>> -> memref<128x64xf32, #tpu.memory_space<hbm>>
      tpu.wait_dma2 semaphore(%run_scoped3A : memref<!tpu.dma_semaphore, #tpu.memory_space<semaphore_mem>>) src(%dma_wait3A_108 : memref<128x64xf32, #tpu.memory_space<hbm>>) dst(%arg8 : memref<128x64xf32, #tpu.memory_space<vmem>>)
      tpu.yield
    }) : () -> ()
    %mul3A_41 = arith.constant 640 : i32
    %mul3A_42 = arith.muli %arg1, %mul3A_41 : i32
    %add3A_43 = arith.constant 384 : i32
    %add3A_44 = arith.addi %mul3A_42, %add3A_43 : i32
    "tpu.region"() ({
      %run_scoped3A = tpu.sem_alloc : memref<!tpu.dma_semaphore, #tpu.memory_space<semaphore_mem>>
      %dma_start3A_101 = arith.constant 0 : i32
      %dma_start3A_102 = tpu.memref_slice %arg10[%add3A_44, %dma_start3A_101] : memref<10240x64xf32, #tpu.memory_space<vmem_shared>> -> memref<128x64xf32, #tpu.memory_space<vmem_shared>>
      %dma_start3A_103 = arith.constant 0 : i32
      %dma_start3A_104 = tpu.memref_slice %arg10[%add3A_44, %dma_start3A_103] : memref<10240x64xf32, #tpu.memory_space<vmem_shared>> -> memref<128x64xf32, #tpu.memory_space<vmem_shared>>
      tpu.enqueue_dma source(%arg8 : memref<128x64xf32, #tpu.memory_space<vmem>>) target(%dma_start3A_104 : memref<128x64xf32, #tpu.memory_space<vmem_shared>>) target_semaphore(%run_scoped3A : memref<!tpu.dma_semaphore, #tpu.memory_space<semaphore_mem>>)
      %dma_wait3A_105 = arith.constant 0 : i32
      %dma_wait3A_106 = tpu.memref_slice %arg10[%add3A_44, %dma_wait3A_105] : memref<10240x64xf32, #tpu.memory_space<vmem_shared>> -> memref<128x64xf32, #tpu.memory_space<vmem_shared>>
      %dma_wait3A_107 = arith.constant 0 : i32
      %dma_wait3A_108 = tpu.memref_slice %arg10[%add3A_44, %dma_wait3A_107] : memref<10240x64xf32, #tpu.memory_space<vmem_shared>> -> memref<128x64xf32, #tpu.memory_space<vmem_shared>>
      tpu.wait_dma2 semaphore(%run_scoped3A : memref<!tpu.dma_semaphore, #tpu.memory_space<semaphore_mem>>) src(%arg8 : memref<128x64xf32, #tpu.memory_space<vmem>>) dst(%dma_wait3A_108 : memref<128x64xf32, #tpu.memory_space<vmem_shared>>)
      tpu.yield
    }) : () -> ()
    %mul3A_45 = arith.constant 640 : i32
    %mul3A_46 = arith.muli %arg1, %mul3A_45 : i32
    %add3A_47 = arith.constant 384 : i32
    %add3A_48 = arith.addi %mul3A_46, %add3A_47 : i32
    "tpu.region"() ({
      %run_scoped3A = tpu.sem_alloc : memref<!tpu.dma_semaphore, #tpu.memory_space<semaphore_mem>>
      %dma_start3A_101 = arith.constant 0 : i32
      %dma_start3A_102 = tpu.memref_slice %arg11[%add3A_48, %dma_start3A_101] : memref<10240x64xf32, #tpu.memory_space<vmem_shared>> -> memref<128x64xf32, #tpu.memory_space<vmem_shared>>
      %dma_start3A_103 = arith.constant 0 : i32
      %dma_start3A_104 = tpu.memref_slice %arg11[%add3A_48, %dma_start3A_103] : memref<10240x64xf32, #tpu.memory_space<vmem_shared>> -> memref<128x64xf32, #tpu.memory_space<vmem_shared>>
      tpu.enqueue_dma source(%arg8 : memref<128x64xf32, #tpu.memory_space<vmem>>) target(%dma_start3A_104 : memref<128x64xf32, #tpu.memory_space<vmem_shared>>) target_semaphore(%run_scoped3A : memref<!tpu.dma_semaphore, #tpu.memory_space<semaphore_mem>>)
      %dma_wait3A_105 = arith.constant 0 : i32
      %dma_wait3A_106 = tpu.memref_slice %arg11[%add3A_48, %dma_wait3A_105] : memref<10240x64xf32, #tpu.memory_space<vmem_shared>> -> memref<128x64xf32, #tpu.memory_space<vmem_shared>>
      %dma_wait3A_107 = arith.constant 0 : i32
      %dma_wait3A_108 = tpu.memref_slice %arg11[%add3A_48, %dma_wait3A_107] : memref<10240x64xf32, #tpu.memory_space<vmem_shared>> -> memref<128x64xf32, #tpu.memory_space<vmem_shared>>
      tpu.wait_dma2 semaphore(%run_scoped3A : memref<!tpu.dma_semaphore, #tpu.memory_space<semaphore_mem>>) src(%arg8 : memref<128x64xf32, #tpu.memory_space<vmem>>) dst(%dma_wait3A_108 : memref<128x64xf32, #tpu.memory_space<vmem_shared>>)
      tpu.yield
    }) : () -> ()
    %mul3A_49 = arith.constant 640 : i32
    %mul3A_50 = arith.muli %arg1, %mul3A_49 : i32
    %add3A_51 = arith.constant 512 : i32
    %add3A_52 = arith.addi %mul3A_50, %add3A_51 : i32
    "tpu.region"() ({
      %run_scoped3A = tpu.sem_alloc : memref<!tpu.dma_semaphore, #tpu.memory_space<semaphore_mem>>
      %dma_start3A_101 = arith.constant 0 : i32
      %dma_start3A_102 = tpu.memref_slice %arg2[%add3A_52, %dma_start3A_101] : memref<10240x64xf32, #tpu.memory_space<hbm>> -> memref<128x64xf32, #tpu.memory_space<hbm>>
      %dma_start3A_103 = arith.constant 0 : i32
      %dma_start3A_104 = tpu.memref_slice %arg2[%add3A_52, %dma_start3A_103] : memref<10240x64xf32, #tpu.memory_space<hbm>> -> memref<128x64xf32, #tpu.memory_space<hbm>>
      tpu.enqueue_dma source(%dma_start3A_104 : memref<128x64xf32, #tpu.memory_space<hbm>>) target(%arg8 : memref<128x64xf32, #tpu.memory_space<vmem>>) target_semaphore(%run_scoped3A : memref<!tpu.dma_semaphore, #tpu.memory_space<semaphore_mem>>)
      %dma_wait3A_105 = arith.constant 0 : i32
      %dma_wait3A_106 = tpu.memref_slice %arg2[%add3A_52, %dma_wait3A_105] : memref<10240x64xf32, #tpu.memory_space<hbm>> -> memref<128x64xf32, #tpu.memory_space<hbm>>
      %dma_wait3A_107 = arith.constant 0 : i32
      %dma_wait3A_108 = tpu.memref_slice %arg2[%add3A_52, %dma_wait3A_107] : memref<10240x64xf32, #tpu.memory_space<hbm>> -> memref<128x64xf32, #tpu.memory_space<hbm>>
      tpu.wait_dma2 semaphore(%run_scoped3A : memref<!tpu.dma_semaphore, #tpu.memory_space<semaphore_mem>>) src(%dma_wait3A_108 : memref<128x64xf32, #tpu.memory_space<hbm>>) dst(%arg8 : memref<128x64xf32, #tpu.memory_space<vmem>>)
      tpu.yield
    }) : () -> ()
    %mul3A_53 = arith.constant 640 : i32
    %mul3A_54 = arith.muli %arg1, %mul3A_53 : i32
    %add3A_55 = arith.constant 512 : i32
    %add3A_56 = arith.addi %mul3A_54, %add3A_55 : i32
    "tpu.region"() ({
      %run_scoped3A = tpu.sem_alloc : memref<!tpu.dma_semaphore, #tpu.memory_space<semaphore_mem>>
      %dma_start3A_101 = arith.constant 0 : i32
      %dma_start3A_102 = tpu.memref_slice %arg10[%add3A_56, %dma_start3A_101] : memref<10240x64xf32, #tpu.memory_space<vmem_shared>> -> memref<128x64xf32, #tpu.memory_space<vmem_shared>>
      %dma_start3A_103 = arith.constant 0 : i32
      %dma_start3A_104 = tpu.memref_slice %arg10[%add3A_56, %dma_start3A_103] : memref<10240x64xf32, #tpu.memory_space<vmem_shared>> -> memref<128x64xf32, #tpu.memory_space<vmem_shared>>
      tpu.enqueue_dma source(%arg8 : memref<128x64xf32, #tpu.memory_space<vmem>>) target(%dma_start3A_104 : memref<128x64xf32, #tpu.memory_space<vmem_shared>>) target_semaphore(%run_scoped3A : memref<!tpu.dma_semaphore, #tpu.memory_space<semaphore_mem>>)
      %dma_wait3A_105 = arith.constant 0 : i32
      %dma_wait3A_106 = tpu.memref_slice %arg10[%add3A_56, %dma_wait3A_105] : memref<10240x64xf32, #tpu.memory_space<vmem_shared>> -> memref<128x64xf32, #tpu.memory_space<vmem_shared>>
      %dma_wait3A_107 = arith.constant 0 : i32
      %dma_wait3A_108 = tpu.memref_slice %arg10[%add3A_56, %dma_wait3A_107] : memref<10240x64xf32, #tpu.memory_space<vmem_shared>> -> memref<128x64xf32, #tpu.memory_space<vmem_shared>>
      tpu.wait_dma2 semaphore(%run_scoped3A : memref<!tpu.dma_semaphore, #tpu.memory_space<semaphore_mem>>) src(%arg8 : memref<128x64xf32, #tpu.memory_space<vmem>>) dst(%dma_wait3A_108 : memref<128x64xf32, #tpu.memory_space<vmem_shared>>)
      tpu.yield
    }) : () -> ()
    %mul3A_57 = arith.constant 640 : i32
    %mul3A_58 = arith.muli %arg1, %mul3A_57 : i32
    %add3A_59 = arith.constant 512 : i32
    %add3A_60 = arith.addi %mul3A_58, %add3A_59 : i32
    "tpu.region"() ({
      %run_scoped3A = tpu.sem_alloc : memref<!tpu.dma_semaphore, #tpu.memory_space<semaphore_mem>>
      %dma_start3A_101 = arith.constant 0 : i32
      %dma_start3A_102 = tpu.memref_slice %arg11[%add3A_60, %dma_start3A_101] : memref<10240x64xf32, #tpu.memory_space<vmem_shared>> -> memref<128x64xf32, #tpu.memory_space<vmem_shared>>
      %dma_start3A_103 = arith.constant 0 : i32
      %dma_start3A_104 = tpu.memref_slice %arg11[%add3A_60, %dma_start3A_103] : memref<10240x64xf32, #tpu.memory_space<vmem_shared>> -> memref<128x64xf32, #tpu.memory_space<vmem_shared>>
      tpu.enqueue_dma source(%arg8 : memref<128x64xf32, #tpu.memory_space<vmem>>) target(%dma_start3A_104 : memref<128x64xf32, #tpu.memory_space<vmem_shared>>) target_semaphore(%run_scoped3A : memref<!tpu.dma_semaphore, #tpu.memory_space<semaphore_mem>>)
      %dma_wait3A_105 = arith.constant 0 : i32
      %dma_wait3A_106 = tpu.memref_slice %arg11[%add3A_60, %dma_wait3A_105] : memref<10240x64xf32, #tpu.memory_space<vmem_shared>> -> memref<128x64xf32, #tpu.memory_space<vmem_shared>>
      %dma_wait3A_107 = arith.constant 0 : i32
      %dma_wait3A_108 = tpu.memref_slice %arg11[%add3A_60, %dma_wait3A_107] : memref<10240x64xf32, #tpu.memory_space<vmem_shared>> -> memref<128x64xf32, #tpu.memory_space<vmem_shared>>
      tpu.wait_dma2 semaphore(%run_scoped3A : memref<!tpu.dma_semaphore, #tpu.memory_space<semaphore_mem>>) src(%arg8 : memref<128x64xf32, #tpu.memory_space<vmem>>) dst(%dma_wait3A_108 : memref<128x64xf32, #tpu.memory_space<vmem_shared>>)
      tpu.yield
    }) : () -> ()
    %mul3A_61 = arith.constant 80 : i32
    %mul3A_62 = arith.muli %add3A, %mul3A_61 : i32
    "tpu.region"() ({
      %run_scoped3A = tpu.sem_alloc : memref<!tpu.dma_semaphore, #tpu.memory_space<semaphore_mem>>
      %dma_start3A_101 = arith.constant 0 : i32
      %dma_start3A_102 = tpu.memref_slice %arg3[%mul3A_62, %dma_start3A_101] : memref<2560x128xi32, #tpu.memory_space<hbm>> -> memref<80x128xi32, #tpu.memory_space<hbm>>
      %dma_start3A_103 = arith.constant 0 : i32
      %dma_start3A_104 = tpu.memref_slice %arg3[%mul3A_62, %dma_start3A_103] : memref<2560x128xi32, #tpu.memory_space<hbm>> -> memref<80x128xi32, #tpu.memory_space<hbm>>
      tpu.enqueue_dma source(%dma_start3A_104 : memref<80x128xi32, #tpu.memory_space<hbm>>) target(%arg6 : memref<80x128xi32, #tpu.memory_space<vmem>>) target_semaphore(%run_scoped3A : memref<!tpu.dma_semaphore, #tpu.memory_space<semaphore_mem>>)
      %dma_wait3A_105 = arith.constant 0 : i32
      %dma_wait3A_106 = tpu.memref_slice %arg3[%mul3A_62, %dma_wait3A_105] : memref<2560x128xi32, #tpu.memory_space<hbm>> -> memref<80x128xi32, #tpu.memory_space<hbm>>
      %dma_wait3A_107 = arith.constant 0 : i32
      %dma_wait3A_108 = tpu.memref_slice %arg3[%mul3A_62, %dma_wait3A_107] : memref<2560x128xi32, #tpu.memory_space<hbm>> -> memref<80x128xi32, #tpu.memory_space<hbm>>
      tpu.wait_dma2 semaphore(%run_scoped3A : memref<!tpu.dma_semaphore, #tpu.memory_space<semaphore_mem>>) src(%dma_wait3A_108 : memref<80x128xi32, #tpu.memory_space<hbm>>) dst(%arg6 : memref<80x128xi32, #tpu.memory_space<vmem>>)
      tpu.yield
    }) : () -> ()
    %mul3A_63 = arith.constant 80 : i32
    %mul3A_64 = arith.muli %add3A, %mul3A_63 : i32
    "tpu.region"() ({
      %run_scoped3A = tpu.sem_alloc : memref<!tpu.dma_semaphore, #tpu.memory_space<semaphore_mem>>
      %dma_start3A_101 = arith.constant 0 : i32
      %dma_start3A_102 = tpu.memref_slice %arg4[%mul3A_64, %dma_start3A_101] : memref<2560x128xi32, #tpu.memory_space<hbm>> -> memref<80x128xi32, #tpu.memory_space<hbm>>
      %dma_start3A_103 = arith.constant 0 : i32
      %dma_start3A_104 = tpu.memref_slice %arg4[%mul3A_64, %dma_start3A_103] : memref<2560x128xi32, #tpu.memory_space<hbm>> -> memref<80x128xi32, #tpu.memory_space<hbm>>
      tpu.enqueue_dma source(%dma_start3A_104 : memref<80x128xi32, #tpu.memory_space<hbm>>) target(%arg7 : memref<80x128xi32, #tpu.memory_space<vmem>>) target_semaphore(%run_scoped3A : memref<!tpu.dma_semaphore, #tpu.memory_space<semaphore_mem>>)
      %dma_wait3A_105 = arith.constant 0 : i32
      %dma_wait3A_106 = tpu.memref_slice %arg4[%mul3A_64, %dma_wait3A_105] : memref<2560x128xi32, #tpu.memory_space<hbm>> -> memref<80x128xi32, #tpu.memory_space<hbm>>
      %dma_wait3A_107 = arith.constant 0 : i32
      %dma_wait3A_108 = tpu.memref_slice %arg4[%mul3A_64, %dma_wait3A_107] : memref<2560x128xi32, #tpu.memory_space<hbm>> -> memref<80x128xi32, #tpu.memory_space<hbm>>
      tpu.wait_dma2 semaphore(%run_scoped3A : memref<!tpu.dma_semaphore, #tpu.memory_space<semaphore_mem>>) src(%dma_wait3A_108 : memref<80x128xi32, #tpu.memory_space<hbm>>) dst(%arg7 : memref<80x128xi32, #tpu.memory_space<vmem>>)
      tpu.yield
    }) : () -> ()
    %barrier3A = arith.constant 0 : index
    tpu.barrier barrier_id(%barrier3A)
    %dma_start3A = arith.constant 0 : i32
    %dma_start3A_65 = arith.constant 0 : i32
    %dma_start3A_66 = tpu.memref_slice %arg6[%dma_start3A, %dma_start3A_65] : memref<80x128xi32, #tpu.memory_space<vmem>> -> memref<1x128xi32, #tpu.memory_space<vmem>>
    %dma_start3A_67 = tpu.memref_squeeze %dma_start3A_66 : memref<1x128xi32, #tpu.memory_space<vmem>> -> memref<128xi32, #tpu.memory_space<vmem>>
    %dma_start3A_68 = arith.constant 0 : i32
    %dma_start3A_69 = arith.constant 0 : i32
    %dma_start3A_70 = tpu.memref_slice %arg11[%dma_start3A_68, %dma_start3A_69] : memref<10240x64xf32, #tpu.memory_space<vmem_shared>> -> memref<10240x64xf32, #tpu.memory_space<vmem_shared>>
    tpu.enqueue_indirect_dma source(%dma_start3A_70 : memref<10240x64xf32, #tpu.memory_space<vmem_shared>>) target(%arg8 : memref<128x64xf32, #tpu.memory_space<vmem>>) offsets(%dma_start3A_67 : memref<128xi32, #tpu.memory_space<vmem>>) semaphore(%arg12 : memref<!tpu.dma_semaphore, #tpu.memory_space<semaphore_mem>>)
    %dma_start3A_71 = arith.constant 1 : i32
    %dma_start3A_72 = arith.constant 0 : i32
    %dma_start3A_73 = tpu.memref_slice %arg6[%dma_start3A_71, %dma_start3A_72] : memref<80x128xi32, #tpu.memory_space<vmem>> -> memref<1x128xi32, #tpu.memory_space<vmem>>
    %dma_start3A_74 = tpu.memref_squeeze %dma_start3A_73 : memref<1x128xi32, #tpu.memory_space<vmem>> -> memref<128xi32, #tpu.memory_space<vmem>>
    %dma_start3A_75 = arith.constant 0 : i32
    %dma_start3A_76 = arith.constant 0 : i32
    %dma_start3A_77 = tpu.memref_slice %arg11[%dma_start3A_75, %dma_start3A_76] : memref<10240x64xf32, #tpu.memory_space<vmem_shared>> -> memref<10240x64xf32, #tpu.memory_space<vmem_shared>>
    tpu.enqueue_indirect_dma source(%dma_start3A_77 : memref<10240x64xf32, #tpu.memory_space<vmem_shared>>) target(%arg9 : memref<128x64xf32, #tpu.memory_space<vmem>>) offsets(%dma_start3A_74 : memref<128xi32, #tpu.memory_space<vmem>>) semaphore(%arg13 : memref<!tpu.dma_semaphore, #tpu.memory_space<semaphore_mem>>)
    %scan3A = arith.constant 0 : i32
    %scan3A_78 = arith.constant 0 : i32
    %scan3A_79 = arith.constant 40 : i32
    %scan3A_80 = arith.addi %scan3A_78, %scan3A_79 : i32
    %scan3A_81 = arith.constant 1 : i32
    scf.for %scan3A_101 = %scan3A_78 to %scan3A_80 step %scan3A_81  : i32 {
      %mul3A_102 = arith.constant 2 : i32
      %mul3A_103 = arith.muli %mul3A_102, %scan3A_101 : i32
      %add3A_104 = arith.constant 0 : i32
      %add3A_105 = arith.addi %mul3A_103, %add3A_104 : i32
      %dma_wait3A_106 = arith.constant 0 : i32
      %dma_wait3A_107 = tpu.memref_slice %arg6[%add3A_105, %dma_wait3A_106] : memref<80x128xi32, #tpu.memory_space<vmem>> -> memref<1x128xi32, #tpu.memory_space<vmem>>
      %dma_wait3A_108 = tpu.memref_squeeze %dma_wait3A_107 : memref<1x128xi32, #tpu.memory_space<vmem>> -> memref<128xi32, #tpu.memory_space<vmem>>
      %dma_wait3A_109 = arith.constant 0 : i32
      %dma_wait3A_110 = arith.constant 0 : i32
      %dma_wait3A_111 = tpu.memref_slice %arg11[%dma_wait3A_109, %dma_wait3A_110] : memref<10240x64xf32, #tpu.memory_space<vmem_shared>> -> memref<10240x64xf32, #tpu.memory_space<vmem_shared>>
      tpu.wait_indirect_dma semaphore(%arg12 : memref<!tpu.dma_semaphore, #tpu.memory_space<semaphore_mem>>) src(%dma_wait3A_111 : memref<10240x64xf32, #tpu.memory_space<vmem_shared>>) dst(%arg8 : memref<128x64xf32, #tpu.memory_space<vmem>>)
      %add3A_112 = arith.constant 0 : i32
      %add3A_113 = arith.addi %mul3A_103, %add3A_112 : i32
      %dma_start3A_114 = arith.constant 0 : i32
      %dma_start3A_115 = tpu.memref_slice %arg7[%add3A_113, %dma_start3A_114] : memref<80x128xi32, #tpu.memory_space<vmem>> -> memref<1x128xi32, #tpu.memory_space<vmem>>
      %dma_start3A_116 = tpu.memref_squeeze %dma_start3A_115 : memref<1x128xi32, #tpu.memory_space<vmem>> -> memref<128xi32, #tpu.memory_space<vmem>>
      %dma_start3A_117 = arith.constant 0 : i32
      %dma_start3A_118 = arith.constant 0 : i32
      %dma_start3A_119 = tpu.memref_slice %arg10[%dma_start3A_117, %dma_start3A_118] : memref<10240x64xf32, #tpu.memory_space<vmem_shared>> -> memref<10240x64xf32, #tpu.memory_space<vmem_shared>>
      tpu.enqueue_indirect_dma source(%arg8 : memref<128x64xf32, #tpu.memory_space<vmem>>) target(%dma_start3A_119 : memref<10240x64xf32, #tpu.memory_space<vmem_shared>>) offsets(%dma_start3A_116 : memref<128xi32, #tpu.memory_space<vmem>>) semaphore(%arg14 : memref<!tpu.dma_semaphore, #tpu.memory_space<semaphore_mem>>) {add = true}
      %add3A_120 = arith.constant 1 : i32
      %add3A_121 = arith.addi %mul3A_103, %add3A_120 : i32
      %dma_wait3A_122 = arith.constant 0 : i32
      %dma_wait3A_123 = tpu.memref_slice %arg6[%add3A_121, %dma_wait3A_122] : memref<80x128xi32, #tpu.memory_space<vmem>> -> memref<1x128xi32, #tpu.memory_space<vmem>>
      %dma_wait3A_124 = tpu.memref_squeeze %dma_wait3A_123 : memref<1x128xi32, #tpu.memory_space<vmem>> -> memref<128xi32, #tpu.memory_space<vmem>>
      %dma_wait3A_125 = arith.constant 0 : i32
      %dma_wait3A_126 = arith.constant 0 : i32
      %dma_wait3A_127 = tpu.memref_slice %arg11[%dma_wait3A_125, %dma_wait3A_126] : memref<10240x64xf32, #tpu.memory_space<vmem_shared>> -> memref<10240x64xf32, #tpu.memory_space<vmem_shared>>
      tpu.wait_indirect_dma semaphore(%arg13 : memref<!tpu.dma_semaphore, #tpu.memory_space<semaphore_mem>>) src(%dma_wait3A_127 : memref<10240x64xf32, #tpu.memory_space<vmem_shared>>) dst(%arg9 : memref<128x64xf32, #tpu.memory_space<vmem>>)
      %add3A_128 = arith.constant 1 : i32
      %add3A_129 = arith.addi %mul3A_103, %add3A_128 : i32
      %dma_start3A_130 = arith.constant 0 : i32
      %dma_start3A_131 = tpu.memref_slice %arg7[%add3A_129, %dma_start3A_130] : memref<80x128xi32, #tpu.memory_space<vmem>> -> memref<1x128xi32, #tpu.memory_space<vmem>>
      %dma_start3A_132 = tpu.memref_squeeze %dma_start3A_131 : memref<1x128xi32, #tpu.memory_space<vmem>> -> memref<128xi32, #tpu.memory_space<vmem>>
      %dma_start3A_133 = arith.constant 0 : i32
      %dma_start3A_134 = arith.constant 0 : i32
      %dma_start3A_135 = tpu.memref_slice %arg10[%dma_start3A_133, %dma_start3A_134] : memref<10240x64xf32, #tpu.memory_space<vmem_shared>> -> memref<10240x64xf32, #tpu.memory_space<vmem_shared>>
      tpu.enqueue_indirect_dma source(%arg9 : memref<128x64xf32, #tpu.memory_space<vmem>>) target(%dma_start3A_135 : memref<10240x64xf32, #tpu.memory_space<vmem_shared>>) offsets(%dma_start3A_132 : memref<128xi32, #tpu.memory_space<vmem>>) semaphore(%arg15 : memref<!tpu.dma_semaphore, #tpu.memory_space<semaphore_mem>>) {add = true}
      %add3A_136 = arith.constant 0 : i32
      %add3A_137 = arith.addi %mul3A_103, %add3A_136 : i32
      %add3A_138 = arith.constant 2 : i32
      %add3A_139 = arith.addi %add3A_137, %add3A_138 : i32
      %lt3A = arith.constant 80 : i32
      %lt3A_140 = arith.cmpi slt, %add3A_139, %lt3A : i32
      %convert_element_type3A = arith.extui %lt3A_140 : i1 to i32
      %cond3A = arith.constant 0 : i32
      %cond3A_141 = arith.cmpi ne, %convert_element_type3A, %cond3A : i32
      scf.if %cond3A_141 {
        %add3A_151 = arith.constant 0 : i32
        %add3A_152 = arith.addi %mul3A_103, %add3A_151 : i32
        %dma_wait3A_153 = arith.constant 0 : i32
        %dma_wait3A_154 = tpu.memref_slice %arg7[%add3A_152, %dma_wait3A_153] : memref<80x128xi32, #tpu.memory_space<vmem>> -> memref<1x128xi32, #tpu.memory_space<vmem>>
        %dma_wait3A_155 = tpu.memref_squeeze %dma_wait3A_154 : memref<1x128xi32, #tpu.memory_space<vmem>> -> memref<128xi32, #tpu.memory_space<vmem>>
        %dma_wait3A_156 = arith.constant 0 : i32
        %dma_wait3A_157 = arith.constant 0 : i32
        %dma_wait3A_158 = tpu.memref_slice %arg10[%dma_wait3A_156, %dma_wait3A_157] : memref<10240x64xf32, #tpu.memory_space<vmem_shared>> -> memref<10240x64xf32, #tpu.memory_space<vmem_shared>>
        tpu.wait_indirect_dma semaphore(%arg14 : memref<!tpu.dma_semaphore, #tpu.memory_space<semaphore_mem>>) src(%arg8 : memref<128x64xf32, #tpu.memory_space<vmem>>) dst(%dma_wait3A_158 : memref<10240x64xf32, #tpu.memory_space<vmem_shared>>)
        %add3A_159 = arith.constant 0 : i32
        %add3A_160 = arith.addi %mul3A_103, %add3A_159 : i32
        %add3A_161 = arith.constant 2 : i32
        %add3A_162 = arith.addi %add3A_160, %add3A_161 : i32
        %dma_start3A_163 = arith.constant 0 : i32
        %dma_start3A_164 = tpu.memref_slice %arg6[%add3A_162, %dma_start3A_163] : memref<80x128xi32, #tpu.memory_space<vmem>> -> memref<1x128xi32, #tpu.memory_space<vmem>>
        %dma_start3A_165 = tpu.memref_squeeze %dma_start3A_164 : memref<1x128xi32, #tpu.memory_space<vmem>> -> memref<128xi32, #tpu.memory_space<vmem>>
        %dma_start3A_166 = arith.constant 0 : i32
        %dma_start3A_167 = arith.constant 0 : i32
        %dma_start3A_168 = tpu.memref_slice %arg11[%dma_start3A_166, %dma_start3A_167] : memref<10240x64xf32, #tpu.memory_space<vmem_shared>> -> memref<10240x64xf32, #tpu.memory_space<vmem_shared>>
        tpu.enqueue_indirect_dma source(%dma_start3A_168 : memref<10240x64xf32, #tpu.memory_space<vmem_shared>>) target(%arg8 : memref<128x64xf32, #tpu.memory_space<vmem>>) offsets(%dma_start3A_165 : memref<128xi32, #tpu.memory_space<vmem>>) semaphore(%arg12 : memref<!tpu.dma_semaphore, #tpu.memory_space<semaphore_mem>>)
      } else {
      }
      %add3A_142 = arith.constant 1 : i32
      %add3A_143 = arith.addi %mul3A_103, %add3A_142 : i32
      %add3A_144 = arith.constant 2 : i32
      %add3A_145 = arith.addi %add3A_143, %add3A_144 : i32
      %lt3A_146 = arith.constant 80 : i32
      %lt3A_147 = arith.cmpi slt, %add3A_145, %lt3A_146 : i32
      %convert_element_type3A_148 = arith.extui %lt3A_147 : i1 to i32
      %cond3A_149 = arith.constant 0 : i32
      %cond3A_150 = arith.cmpi ne, %convert_element_type3A_148, %cond3A_149 : i32
      scf.if %cond3A_150 {
        %add3A_151 = arith.constant 1 : i32
        %add3A_152 = arith.addi %mul3A_103, %add3A_151 : i32
        %dma_wait3A_153 = arith.constant 0 : i32
        %dma_wait3A_154 = tpu.memref_slice %arg7[%add3A_152, %dma_wait3A_153] : memref<80x128xi32, #tpu.memory_space<vmem>> -> memref<1x128xi32, #tpu.memory_space<vmem>>
        %dma_wait3A_155 = tpu.memref_squeeze %dma_wait3A_154 : memref<1x128xi32, #tpu.memory_space<vmem>> -> memref<128xi32, #tpu.memory_space<vmem>>
        %dma_wait3A_156 = arith.constant 0 : i32
        %dma_wait3A_157 = arith.constant 0 : i32
        %dma_wait3A_158 = tpu.memref_slice %arg10[%dma_wait3A_156, %dma_wait3A_157] : memref<10240x64xf32, #tpu.memory_space<vmem_shared>> -> memref<10240x64xf32, #tpu.memory_space<vmem_shared>>
        tpu.wait_indirect_dma semaphore(%arg15 : memref<!tpu.dma_semaphore, #tpu.memory_space<semaphore_mem>>) src(%arg9 : memref<128x64xf32, #tpu.memory_space<vmem>>) dst(%dma_wait3A_158 : memref<10240x64xf32, #tpu.memory_space<vmem_shared>>)
        %add3A_159 = arith.constant 1 : i32
        %add3A_160 = arith.addi %mul3A_103, %add3A_159 : i32
        %add3A_161 = arith.constant 2 : i32
        %add3A_162 = arith.addi %add3A_160, %add3A_161 : i32
        %dma_start3A_163 = arith.constant 0 : i32
        %dma_start3A_164 = tpu.memref_slice %arg6[%add3A_162, %dma_start3A_163] : memref<80x128xi32, #tpu.memory_space<vmem>> -> memref<1x128xi32, #tpu.memory_space<vmem>>
        %dma_start3A_165 = tpu.memref_squeeze %dma_start3A_164 : memref<1x128xi32, #tpu.memory_space<vmem>> -> memref<128xi32, #tpu.memory_space<vmem>>
        %dma_start3A_166 = arith.constant 0 : i32
        %dma_start3A_167 = arith.constant 0 : i32
        %dma_start3A_168 = tpu.memref_slice %arg11[%dma_start3A_166, %dma_start3A_167] : memref<10240x64xf32, #tpu.memory_space<vmem_shared>> -> memref<10240x64xf32, #tpu.memory_space<vmem_shared>>
        tpu.enqueue_indirect_dma source(%dma_start3A_168 : memref<10240x64xf32, #tpu.memory_space<vmem_shared>>) target(%arg9 : memref<128x64xf32, #tpu.memory_space<vmem>>) offsets(%dma_start3A_165 : memref<128xi32, #tpu.memory_space<vmem>>) semaphore(%arg13 : memref<!tpu.dma_semaphore, #tpu.memory_space<semaphore_mem>>)
      } else {
      }
    }
    %scan3A_82 = arith.constant 40 : i32
    %dma_wait3A = arith.constant 78 : i32
    %dma_wait3A_83 = arith.constant 0 : i32
    %dma_wait3A_84 = tpu.memref_slice %arg7[%dma_wait3A, %dma_wait3A_83] : memref<80x128xi32, #tpu.memory_space<vmem>> -> memref<1x128xi32, #tpu.memory_space<vmem>>
    %dma_wait3A_85 = tpu.memref_squeeze %dma_wait3A_84 : memref<1x128xi32, #tpu.memory_space<vmem>> -> memref<128xi32, #tpu.memory_space<vmem>>
    %dma_wait3A_86 = arith.constant 0 : i32
    %dma_wait3A_87 = arith.constant 0 : i32
    %dma_wait3A_88 = tpu.memref_slice %arg10[%dma_wait3A_86, %dma_wait3A_87] : memref<10240x64xf32, #tpu.memory_space<vmem_shared>> -> memref<10240x64xf32, #tpu.memory_space<vmem_shared>>
    tpu.wait_indirect_dma semaphore(%arg14 : memref<!tpu.dma_semaphore, #tpu.memory_space<semaphore_mem>>) src(%arg8 : memref<128x64xf32, #tpu.memory_space<vmem>>) dst(%dma_wait3A_88 : memref<10240x64xf32, #tpu.memory_space<vmem_shared>>)
    %dma_wait3A_89 = arith.constant 79 : i32
    %dma_wait3A_90 = arith.constant 0 : i32
    %dma_wait3A_91 = tpu.memref_slice %arg7[%dma_wait3A_89, %dma_wait3A_90] : memref<80x128xi32, #tpu.memory_space<vmem>> -> memref<1x128xi32, #tpu.memory_space<vmem>>
    %dma_wait3A_92 = tpu.memref_squeeze %dma_wait3A_91 : memref<1x128xi32, #tpu.memory_space<vmem>> -> memref<128xi32, #tpu.memory_space<vmem>>
    %dma_wait3A_93 = arith.constant 0 : i32
    %dma_wait3A_94 = arith.constant 0 : i32
    %dma_wait3A_95 = tpu.memref_slice %arg10[%dma_wait3A_93, %dma_wait3A_94] : memref<10240x64xf32, #tpu.memory_space<vmem_shared>> -> memref<10240x64xf32, #tpu.memory_space<vmem_shared>>
    tpu.wait_indirect_dma semaphore(%arg15 : memref<!tpu.dma_semaphore, #tpu.memory_space<semaphore_mem>>) src(%arg9 : memref<128x64xf32, #tpu.memory_space<vmem>>) dst(%dma_wait3A_95 : memref<10240x64xf32, #tpu.memory_space<vmem_shared>>)
    %barrier3A_96 = arith.constant 0 : index
    tpu.barrier barrier_id(%barrier3A_96)
    %mul3A_97 = arith.constant 640 : i32
    %mul3A_98 = arith.muli %arg1, %mul3A_97 : i32
    %mul3A_99 = arith.constant 640 : i32
    %mul3A_100 = arith.muli %arg1, %mul3A_99 : i32
    "tpu.region"() ({
      %run_scoped3A = tpu.sem_alloc : memref<!tpu.dma_semaphore, #tpu.memory_space<semaphore_mem>>
      %dma_start3A_101 = arith.constant 0 : i32
      %dma_start3A_102 = tpu.memref_slice %arg5[%arg0, %mul3A_100, %dma_start3A_101] : memref<2x10240x64xf32, #tpu.memory_space<hbm>> -> memref<1x640x64xf32, #tpu.memory_space<hbm>>
      %dma_start3A_103 = tpu.memref_squeeze %dma_start3A_102 : memref<1x640x64xf32, #tpu.memory_space<hbm>> -> memref<640x64xf32, #tpu.memory_space<hbm>>
      %dma_start3A_104 = arith.constant 0 : i32
      %dma_start3A_105 = tpu.memref_slice %arg10[%mul3A_98, %dma_start3A_104] : memref<10240x64xf32, #tpu.memory_space<vmem_shared>> -> memref<640x64xf32, #tpu.memory_space<vmem_shared>>
      tpu.enqueue_dma source(%dma_start3A_105 : memref<640x64xf32, #tpu.memory_space<vmem_shared>>) target(%dma_start3A_103 : memref<640x64xf32, #tpu.memory_space<hbm>>) target_semaphore(%run_scoped3A : memref<!tpu.dma_semaphore, #tpu.memory_space<semaphore_mem>>)
      %dma_wait3A_106 = arith.constant 0 : i32
      %dma_wait3A_107 = tpu.memref_slice %arg5[%arg0, %mul3A_100, %dma_wait3A_106] : memref<2x10240x64xf32, #tpu.memory_space<hbm>> -> memref<1x640x64xf32, #tpu.memory_space<hbm>>
      %dma_wait3A_108 = tpu.memref_squeeze %dma_wait3A_107 : memref<1x640x64xf32, #tpu.memory_space<hbm>> -> memref<640x64xf32, #tpu.memory_space<hbm>>
      %dma_wait3A_109 = arith.constant 0 : i32
      %dma_wait3A_110 = tpu.memref_slice %arg10[%mul3A_98, %dma_wait3A_109] : memref<10240x64xf32, #tpu.memory_space<vmem_shared>> -> memref<640x64xf32, #tpu.memory_space<vmem_shared>>
      tpu.wait_dma2 semaphore(%run_scoped3A : memref<!tpu.dma_semaphore, #tpu.memory_space<semaphore_mem>>) src(%dma_wait3A_110 : memref<640x64xf32, #tpu.memory_space<vmem_shared>>) dst(%dma_wait3A_108 : memref<640x64xf32, #tpu.memory_space<hbm>>)
      tpu.yield
    }) : () -> ()
    return
  }
}

#map = affine_map<(d0, d1) -> (0, 0)>
#map1 = affine_map<(d0, d1) -> (0, 0, 0)>
module attributes {stable_mosaic.version = 14 : i64} {
  func.func @_deg_sc(%arg0: i32, %arg1: i32, %arg2: memref<2560x128xi32, #tpu.memory_space<hbm>>, %arg3: memref<2x10240x16xf32, #tpu.memory_space<hbm>>, %arg4: memref<80x128xi32, #tpu.memory_space<vmem>>, %arg5: memref<128x16xf32, #tpu.memory_space<vmem>>, %arg6: memref<128x16xf32, #tpu.memory_space<vmem>>, %arg7: memref<10240x16xf32, #tpu.memory_space<vmem_shared>>) attributes {dimension_semantics = [#tpu.dimension_semantics<core_parallel>, #tpu.dimension_semantics<subcore_parallel>], iteration_bounds = array<i64: 2, 16>, scalar_prefetch = 0 : i64, scratch_operands = 4 : i64, tpu.core_type = #tpu.core_type<sc_vector_subcore>, window_params = [{transform_indices = #map}, {transform_indices = #map1}]} {
    %mul3A = arith.constant 16 : i32
    %mul3A_0 = arith.muli %arg0, %mul3A : i32
    %add3A = arith.addi %mul3A_0, %arg1 : i32
    %scan3A = arith.constant 0 : i32
    %scan3A_1 = arith.constant 0 : i32
    %scan3A_2 = arith.constant 128 : i32
    %scan3A_3 = arith.addi %scan3A_1, %scan3A_2 : i32
    %scan3A_4 = arith.constant 1 : i32
    scf.for %scan3A_39 = %scan3A_1 to %scan3A_3 step %scan3A_4  : i32 {
      %broadcast_in_dim3A = arith.constant 1.000000e+00 : f32
      %broadcast_in_dim3A_40 = vector.broadcast %broadcast_in_dim3A : f32 to vector<16xf32>
      %swap3A = arith.index_cast %scan3A_39 : i32 to index
      %swap3A_41 = arith.constant 0 : index
      %swap3A_42 = tpu.vector_load %arg5[%swap3A, %swap3A_41] {strides = array<i32>} : memref<128x16xf32, #tpu.memory_space<vmem>>, vector<1x16xf32>,
      %swap3A_43 = vector.shape_cast %swap3A_42 : vector<1x16xf32> to vector<16xf32>
      %swap3A_44 = vector.shape_cast %broadcast_in_dim3A_40 : vector<16xf32> to vector<1x16xf32>
      tpu.vector_store %arg5[%swap3A, %swap3A_41], %swap3A_44 {strides = array<i32>} : memref<128x16xf32, #tpu.memory_space<vmem>>, vector<1x16xf32>,
      %broadcast_in_dim3A_45 = arith.constant 0.000000e+00 : f32
      %broadcast_in_dim3A_46 = vector.broadcast %broadcast_in_dim3A_45 : f32 to vector<16xf32>
      %swap3A_47 = arith.index_cast %scan3A_39 : i32 to index
      %swap3A_48 = arith.constant 0 : index
      %swap3A_49 = tpu.vector_load %arg6[%swap3A_47, %swap3A_48] {strides = array<i32>} : memref<128x16xf32, #tpu.memory_space<vmem>>, vector<1x16xf32>,
      %swap3A_50 = vector.shape_cast %swap3A_49 : vector<1x16xf32> to vector<16xf32>
      %swap3A_51 = vector.shape_cast %broadcast_in_dim3A_46 : vector<16xf32> to vector<1x16xf32>
      tpu.vector_store %arg6[%swap3A_47, %swap3A_48], %swap3A_51 {strides = array<i32>} : memref<128x16xf32, #tpu.memory_space<vmem>>, vector<1x16xf32>,
    }
    %scan3A_5 = arith.constant 128 : i32
    %mul3A_6 = arith.constant 80 : i32
    %mul3A_7 = arith.muli %add3A, %mul3A_6 : i32
    "tpu.region"() ({
      %run_scoped3A = tpu.sem_alloc : memref<!tpu.dma_semaphore, #tpu.memory_space<semaphore_mem>>
      %dma_start3A = arith.constant 0 : i32
      %dma_start3A_39 = tpu.memref_slice %arg2[%mul3A_7, %dma_start3A] : memref<2560x128xi32, #tpu.memory_space<hbm>> -> memref<80x128xi32, #tpu.memory_space<hbm>>
      %dma_start3A_40 = arith.constant 0 : i32
      %dma_start3A_41 = tpu.memref_slice %arg2[%mul3A_7, %dma_start3A_40] : memref<2560x128xi32, #tpu.memory_space<hbm>> -> memref<80x128xi32, #tpu.memory_space<hbm>>
      tpu.enqueue_dma source(%dma_start3A_41 : memref<80x128xi32, #tpu.memory_space<hbm>>) target(%arg4 : memref<80x128xi32, #tpu.memory_space<vmem>>) target_semaphore(%run_scoped3A : memref<!tpu.dma_semaphore, #tpu.memory_space<semaphore_mem>>)
      %dma_wait3A = arith.constant 0 : i32
      %dma_wait3A_42 = tpu.memref_slice %arg2[%mul3A_7, %dma_wait3A] : memref<2560x128xi32, #tpu.memory_space<hbm>> -> memref<80x128xi32, #tpu.memory_space<hbm>>
      %dma_wait3A_43 = arith.constant 0 : i32
      %dma_wait3A_44 = tpu.memref_slice %arg2[%mul3A_7, %dma_wait3A_43] : memref<2560x128xi32, #tpu.memory_space<hbm>> -> memref<80x128xi32, #tpu.memory_space<hbm>>
      tpu.wait_dma2 semaphore(%run_scoped3A : memref<!tpu.dma_semaphore, #tpu.memory_space<semaphore_mem>>) src(%dma_wait3A_44 : memref<80x128xi32, #tpu.memory_space<hbm>>) dst(%arg4 : memref<80x128xi32, #tpu.memory_space<vmem>>)
      tpu.yield
    }) : () -> ()
    %mul3A_8 = arith.constant 640 : i32
    %mul3A_9 = arith.muli %arg1, %mul3A_8 : i32
    %add3A_10 = arith.constant 0 : i32
    %add3A_11 = arith.addi %mul3A_9, %add3A_10 : i32
    "tpu.region"() ({
      %run_scoped3A = tpu.sem_alloc : memref<!tpu.dma_semaphore, #tpu.memory_space<semaphore_mem>>
      %dma_start3A = arith.constant 0 : i32
      %dma_start3A_39 = tpu.memref_slice %arg7[%add3A_11, %dma_start3A] : memref<10240x16xf32, #tpu.memory_space<vmem_shared>> -> memref<128x16xf32, #tpu.memory_space<vmem_shared>>
      %dma_start3A_40 = arith.constant 0 : i32
      %dma_start3A_41 = tpu.memref_slice %arg7[%add3A_11, %dma_start3A_40] : memref<10240x16xf32, #tpu.memory_space<vmem_shared>> -> memref<128x16xf32, #tpu.memory_space<vmem_shared>>
      tpu.enqueue_dma source(%arg6 : memref<128x16xf32, #tpu.memory_space<vmem>>) target(%dma_start3A_41 : memref<128x16xf32, #tpu.memory_space<vmem_shared>>) target_semaphore(%run_scoped3A : memref<!tpu.dma_semaphore, #tpu.memory_space<semaphore_mem>>)
      %dma_wait3A = arith.constant 0 : i32
      %dma_wait3A_42 = tpu.memref_slice %arg7[%add3A_11, %dma_wait3A] : memref<10240x16xf32, #tpu.memory_space<vmem_shared>> -> memref<128x16xf32, #tpu.memory_space<vmem_shared>>
      %dma_wait3A_43 = arith.constant 0 : i32
      %dma_wait3A_44 = tpu.memref_slice %arg7[%add3A_11, %dma_wait3A_43] : memref<10240x16xf32, #tpu.memory_space<vmem_shared>> -> memref<128x16xf32, #tpu.memory_space<vmem_shared>>
      tpu.wait_dma2 semaphore(%run_scoped3A : memref<!tpu.dma_semaphore, #tpu.memory_space<semaphore_mem>>) src(%arg6 : memref<128x16xf32, #tpu.memory_space<vmem>>) dst(%dma_wait3A_44 : memref<128x16xf32, #tpu.memory_space<vmem_shared>>)
      tpu.yield
    }) : () -> ()
    %mul3A_12 = arith.constant 640 : i32
    %mul3A_13 = arith.muli %arg1, %mul3A_12 : i32
    %add3A_14 = arith.constant 128 : i32
    %add3A_15 = arith.addi %mul3A_13, %add3A_14 : i32
    "tpu.region"() ({
      %run_scoped3A = tpu.sem_alloc : memref<!tpu.dma_semaphore, #tpu.memory_space<semaphore_mem>>
      %dma_start3A = arith.constant 0 : i32
      %dma_start3A_39 = tpu.memref_slice %arg7[%add3A_15, %dma_start3A] : memref<10240x16xf32, #tpu.memory_space<vmem_shared>> -> memref<128x16xf32, #tpu.memory_space<vmem_shared>>
      %dma_start3A_40 = arith.constant 0 : i32
      %dma_start3A_41 = tpu.memref_slice %arg7[%add3A_15, %dma_start3A_40] : memref<10240x16xf32, #tpu.memory_space<vmem_shared>> -> memref<128x16xf32, #tpu.memory_space<vmem_shared>>
      tpu.enqueue_dma source(%arg6 : memref<128x16xf32, #tpu.memory_space<vmem>>) target(%dma_start3A_41 : memref<128x16xf32, #tpu.memory_space<vmem_shared>>) target_semaphore(%run_scoped3A : memref<!tpu.dma_semaphore, #tpu.memory_space<semaphore_mem>>)
      %dma_wait3A = arith.constant 0 : i32
      %dma_wait3A_42 = tpu.memref_slice %arg7[%add3A_15, %dma_wait3A] : memref<10240x16xf32, #tpu.memory_space<vmem_shared>> -> memref<128x16xf32, #tpu.memory_space<vmem_shared>>
      %dma_wait3A_43 = arith.constant 0 : i32
      %dma_wait3A_44 = tpu.memref_slice %arg7[%add3A_15, %dma_wait3A_43] : memref<10240x16xf32, #tpu.memory_space<vmem_shared>> -> memref<128x16xf32, #tpu.memory_space<vmem_shared>>
      tpu.wait_dma2 semaphore(%run_scoped3A : memref<!tpu.dma_semaphore, #tpu.memory_space<semaphore_mem>>) src(%arg6 : memref<128x16xf32, #tpu.memory_space<vmem>>) dst(%dma_wait3A_44 : memref<128x16xf32, #tpu.memory_space<vmem_shared>>)
      tpu.yield
    }) : () -> ()
    %mul3A_16 = arith.constant 640 : i32
    %mul3A_17 = arith.muli %arg1, %mul3A_16 : i32
    %add3A_18 = arith.constant 256 : i32
    %add3A_19 = arith.addi %mul3A_17, %add3A_18 : i32
    "tpu.region"() ({
      %run_scoped3A = tpu.sem_alloc : memref<!tpu.dma_semaphore, #tpu.memory_space<semaphore_mem>>
      %dma_start3A = arith.constant 0 : i32
      %dma_start3A_39 = tpu.memref_slice %arg7[%add3A_19, %dma_start3A] : memref<10240x16xf32, #tpu.memory_space<vmem_shared>> -> memref<128x16xf32, #tpu.memory_space<vmem_shared>>
      %dma_start3A_40 = arith.constant 0 : i32
      %dma_start3A_41 = tpu.memref_slice %arg7[%add3A_19, %dma_start3A_40] : memref<10240x16xf32, #tpu.memory_space<vmem_shared>> -> memref<128x16xf32, #tpu.memory_space<vmem_shared>>
      tpu.enqueue_dma source(%arg6 : memref<128x16xf32, #tpu.memory_space<vmem>>) target(%dma_start3A_41 : memref<128x16xf32, #tpu.memory_space<vmem_shared>>) target_semaphore(%run_scoped3A : memref<!tpu.dma_semaphore, #tpu.memory_space<semaphore_mem>>)
      %dma_wait3A = arith.constant 0 : i32
      %dma_wait3A_42 = tpu.memref_slice %arg7[%add3A_19, %dma_wait3A] : memref<10240x16xf32, #tpu.memory_space<vmem_shared>> -> memref<128x16xf32, #tpu.memory_space<vmem_shared>>
      %dma_wait3A_43 = arith.constant 0 : i32
      %dma_wait3A_44 = tpu.memref_slice %arg7[%add3A_19, %dma_wait3A_43] : memref<10240x16xf32, #tpu.memory_space<vmem_shared>> -> memref<128x16xf32, #tpu.memory_space<vmem_shared>>
      tpu.wait_dma2 semaphore(%run_scoped3A : memref<!tpu.dma_semaphore, #tpu.memory_space<semaphore_mem>>) src(%arg6 : memref<128x16xf32, #tpu.memory_space<vmem>>) dst(%dma_wait3A_44 : memref<128x16xf32, #tpu.memory_space<vmem_shared>>)
      tpu.yield
    }) : () -> ()
    %mul3A_20 = arith.constant 640 : i32
    %mul3A_21 = arith.muli %arg1, %mul3A_20 : i32
    %add3A_22 = arith.constant 384 : i32
    %add3A_23 = arith.addi %mul3A_21, %add3A_22 : i32
    "tpu.region"() ({
      %run_scoped3A = tpu.sem_alloc : memref<!tpu.dma_semaphore, #tpu.memory_space<semaphore_mem>>
      %dma_start3A = arith.constant 0 : i32
      %dma_start3A_39 = tpu.memref_slice %arg7[%add3A_23, %dma_start3A] : memref<10240x16xf32, #tpu.memory_space<vmem_shared>> -> memref<128x16xf32, #tpu.memory_space<vmem_shared>>
      %dma_start3A_40 = arith.constant 0 : i32
      %dma_start3A_41 = tpu.memref_slice %arg7[%add3A_23, %dma_start3A_40] : memref<10240x16xf32, #tpu.memory_space<vmem_shared>> -> memref<128x16xf32, #tpu.memory_space<vmem_shared>>
      tpu.enqueue_dma source(%arg6 : memref<128x16xf32, #tpu.memory_space<vmem>>) target(%dma_start3A_41 : memref<128x16xf32, #tpu.memory_space<vmem_shared>>) target_semaphore(%run_scoped3A : memref<!tpu.dma_semaphore, #tpu.memory_space<semaphore_mem>>)
      %dma_wait3A = arith.constant 0 : i32
      %dma_wait3A_42 = tpu.memref_slice %arg7[%add3A_23, %dma_wait3A] : memref<10240x16xf32, #tpu.memory_space<vmem_shared>> -> memref<128x16xf32, #tpu.memory_space<vmem_shared>>
      %dma_wait3A_43 = arith.constant 0 : i32
      %dma_wait3A_44 = tpu.memref_slice %arg7[%add3A_23, %dma_wait3A_43] : memref<10240x16xf32, #tpu.memory_space<vmem_shared>> -> memref<128x16xf32, #tpu.memory_space<vmem_shared>>
      tpu.wait_dma2 semaphore(%run_scoped3A : memref<!tpu.dma_semaphore, #tpu.memory_space<semaphore_mem>>) src(%arg6 : memref<128x16xf32, #tpu.memory_space<vmem>>) dst(%dma_wait3A_44 : memref<128x16xf32, #tpu.memory_space<vmem_shared>>)
      tpu.yield
    }) : () -> ()
    %mul3A_24 = arith.constant 640 : i32
    %mul3A_25 = arith.muli %arg1, %mul3A_24 : i32
    %add3A_26 = arith.constant 512 : i32
    %add3A_27 = arith.addi %mul3A_25, %add3A_26 : i32
    "tpu.region"() ({
      %run_scoped3A = tpu.sem_alloc : memref<!tpu.dma_semaphore, #tpu.memory_space<semaphore_mem>>
      %dma_start3A = arith.constant 0 : i32
      %dma_start3A_39 = tpu.memref_slice %arg7[%add3A_27, %dma_start3A] : memref<10240x16xf32, #tpu.memory_space<vmem_shared>> -> memref<128x16xf32, #tpu.memory_space<vmem_shared>>
      %dma_start3A_40 = arith.constant 0 : i32
      %dma_start3A_41 = tpu.memref_slice %arg7[%add3A_27, %dma_start3A_40] : memref<10240x16xf32, #tpu.memory_space<vmem_shared>> -> memref<128x16xf32, #tpu.memory_space<vmem_shared>>
      tpu.enqueue_dma source(%arg6 : memref<128x16xf32, #tpu.memory_space<vmem>>) target(%dma_start3A_41 : memref<128x16xf32, #tpu.memory_space<vmem_shared>>) target_semaphore(%run_scoped3A : memref<!tpu.dma_semaphore, #tpu.memory_space<semaphore_mem>>)
      %dma_wait3A = arith.constant 0 : i32
      %dma_wait3A_42 = tpu.memref_slice %arg7[%add3A_27, %dma_wait3A] : memref<10240x16xf32, #tpu.memory_space<vmem_shared>> -> memref<128x16xf32, #tpu.memory_space<vmem_shared>>
      %dma_wait3A_43 = arith.constant 0 : i32
      %dma_wait3A_44 = tpu.memref_slice %arg7[%add3A_27, %dma_wait3A_43] : memref<10240x16xf32, #tpu.memory_space<vmem_shared>> -> memref<128x16xf32, #tpu.memory_space<vmem_shared>>
      tpu.wait_dma2 semaphore(%run_scoped3A : memref<!tpu.dma_semaphore, #tpu.memory_space<semaphore_mem>>) src(%arg6 : memref<128x16xf32, #tpu.memory_space<vmem>>) dst(%dma_wait3A_44 : memref<128x16xf32, #tpu.memory_space<vmem_shared>>)
      tpu.yield
    }) : () -> ()
    %barrier3A = arith.constant 0 : index
    tpu.barrier barrier_id(%barrier3A)
    %scan3A_28 = arith.constant 0 : i32
    %scan3A_29 = arith.constant 0 : i32
    %scan3A_30 = arith.constant 80 : i32
    %scan3A_31 = arith.addi %scan3A_29, %scan3A_30 : i32
    %scan3A_32 = arith.constant 1 : i32
    scf.for %scan3A_39 = %scan3A_29 to %scan3A_31 step %scan3A_32  : i32 {
      "tpu.region"() ({
        %run_scoped3A = tpu.sem_alloc : memref<!tpu.dma_semaphore, #tpu.memory_space<semaphore_mem>>
        %dma_start3A = arith.constant 0 : i32
        %dma_start3A_40 = tpu.memref_slice %arg4[%scan3A_39, %dma_start3A] : memref<80x128xi32, #tpu.memory_space<vmem>> -> memref<1x128xi32, #tpu.memory_space<vmem>>
        %dma_start3A_41 = tpu.memref_squeeze %dma_start3A_40 : memref<1x128xi32, #tpu.memory_space<vmem>> -> memref<128xi32, #tpu.memory_space<vmem>>
        %dma_start3A_42 = arith.constant 0 : i32
        %dma_start3A_43 = arith.constant 0 : i32
        %dma_start3A_44 = tpu.memref_slice %arg7[%dma_start3A_42, %dma_start3A_43] : memref<10240x16xf32, #tpu.memory_space<vmem_shared>> -> memref<10240x16xf32, #tpu.memory_space<vmem_shared>>
        tpu.enqueue_indirect_dma source(%arg5 : memref<128x16xf32, #tpu.memory_space<vmem>>) target(%dma_start3A_44 : memref<10240x16xf32, #tpu.memory_space<vmem_shared>>) offsets(%dma_start3A_41 : memref<128xi32, #tpu.memory_space<vmem>>) semaphore(%run_scoped3A : memref<!tpu.dma_semaphore, #tpu.memory_space<semaphore_mem>>) {add = true}
        %dma_wait3A = arith.constant 0 : i32
        %dma_wait3A_45 = tpu.memref_slice %arg4[%scan3A_39, %dma_wait3A] : memref<80x128xi32, #tpu.memory_space<vmem>> -> memref<1x128xi32, #tpu.memory_space<vmem>>
        %dma_wait3A_46 = tpu.memref_squeeze %dma_wait3A_45 : memref<1x128xi32, #tpu.memory_space<vmem>> -> memref<128xi32, #tpu.memory_space<vmem>>
        %dma_wait3A_47 = arith.constant 0 : i32
        %dma_wait3A_48 = arith.constant 0 : i32
        %dma_wait3A_49 = tpu.memref_slice %arg7[%dma_wait3A_47, %dma_wait3A_48] : memref<10240x16xf32, #tpu.memory_space<vmem_shared>> -> memref<10240x16xf32, #tpu.memory_space<vmem_shared>>
        tpu.wait_indirect_dma semaphore(%run_scoped3A : memref<!tpu.dma_semaphore, #tpu.memory_space<semaphore_mem>>) src(%arg5 : memref<128x16xf32, #tpu.memory_space<vmem>>) dst(%dma_wait3A_49 : memref<10240x16xf32, #tpu.memory_space<vmem_shared>>)
        tpu.yield
      }) : () -> ()
    }
    %scan3A_33 = arith.constant 80 : i32
    %barrier3A_34 = arith.constant 0 : index
    tpu.barrier barrier_id(%barrier3A_34)
    %mul3A_35 = arith.constant 640 : i32
    %mul3A_36 = arith.muli %arg1, %mul3A_35 : i32
    %mul3A_37 = arith.constant 640 : i32
    %mul3A_38 = arith.muli %arg1, %mul3A_37 : i32
    "tpu.region"() ({
      %run_scoped3A = tpu.sem_alloc : memref<!tpu.dma_semaphore, #tpu.memory_space<semaphore_mem>>
      %dma_start3A = arith.constant 0 : i32
      %dma_start3A_39 = tpu.memref_slice %arg3[%arg0, %mul3A_38, %dma_start3A] : memref<2x10240x16xf32, #tpu.memory_space<hbm>> -> memref<1x640x16xf32, #tpu.memory_space<hbm>>
      %dma_start3A_40 = tpu.memref_squeeze %dma_start3A_39 : memref<1x640x16xf32, #tpu.memory_space<hbm>> -> memref<640x16xf32, #tpu.memory_space<hbm>>
      %dma_start3A_41 = arith.constant 0 : i32
      %dma_start3A_42 = tpu.memref_slice %arg7[%mul3A_36, %dma_start3A_41] : memref<10240x16xf32, #tpu.memory_space<vmem_shared>> -> memref<640x16xf32, #tpu.memory_space<vmem_shared>>
      tpu.enqueue_dma source(%dma_start3A_42 : memref<640x16xf32, #tpu.memory_space<vmem_shared>>) target(%dma_start3A_40 : memref<640x16xf32, #tpu.memory_space<hbm>>) target_semaphore(%run_scoped3A : memref<!tpu.dma_semaphore, #tpu.memory_space<semaphore_mem>>)
      %dma_wait3A = arith.constant 0 : i32
      %dma_wait3A_43 = tpu.memref_slice %arg3[%arg0, %mul3A_38, %dma_wait3A] : memref<2x10240x16xf32, #tpu.memory_space<hbm>> -> memref<1x640x16xf32, #tpu.memory_space<hbm>>
      %dma_wait3A_44 = tpu.memref_squeeze %dma_wait3A_43 : memref<1x640x16xf32, #tpu.memory_space<hbm>> -> memref<640x16xf32, #tpu.memory_space<hbm>>
      %dma_wait3A_45 = arith.constant 0 : i32
      %dma_wait3A_46 = tpu.memref_slice %arg7[%mul3A_36, %dma_wait3A_45] : memref<10240x16xf32, #tpu.memory_space<vmem_shared>> -> memref<640x16xf32, #tpu.memory_space<vmem_shared>>
      tpu.wait_dma2 semaphore(%run_scoped3A : memref<!tpu.dma_semaphore, #tpu.memory_space<semaphore_mem>>) src(%dma_wait3A_46 : memref<640x16xf32, #tpu.memory_space<vmem_shared>>) dst(%dma_wait3A_44 : memref<640x16xf32, #tpu.memory_space<hbm>>)
      tpu.yield
    }) : () -> ()
    return
  }
}

#map = affine_map<(d0, d1) -> (0, 0)>
#map1 = affine_map<(d0, d1) -> (0, 0, 0)>
module attributes {stable_mosaic.version = 14 : i64} {
  func.func @_prop_sc(%arg0: i32, %arg1: i32, %arg2: memref<10240x64xf32, #tpu.memory_space<hbm>>, %arg3: memref<2560x128xi32, #tpu.memory_space<hbm>>, %arg4: memref<2560x128xi32, #tpu.memory_space<hbm>>, %arg5: memref<2x10240x64xf32, #tpu.memory_space<hbm>>, %arg6: memref<80x128xi32, #tpu.memory_space<vmem>>, %arg7: memref<80x128xi32, #tpu.memory_space<vmem>>, %arg8: memref<128x64xf32, #tpu.memory_space<vmem>>, %arg9: memref<128x64xf32, #tpu.memory_space<vmem>>, %arg10: memref<10240x64xf32, #tpu.memory_space<vmem_shared>>, %arg11: memref<10240x64xf32, #tpu.memory_space<vmem_shared>>, %arg12: memref<!tpu.dma_semaphore, #tpu.memory_space<semaphore_mem>>, %arg13: memref<!tpu.dma_semaphore, #tpu.memory_space<semaphore_mem>>, %arg14: memref<!tpu.dma_semaphore, #tpu.memory_space<semaphore_mem>>, %arg15: memref<!tpu.dma_semaphore, #tpu.memory_space<semaphore_mem>>) attributes {dimension_semantics = [#tpu.dimension_semantics<core_parallel>, #tpu.dimension_semantics<subcore_parallel>], iteration_bounds = array<i64: 2, 16>, scalar_prefetch = 0 : i64, scratch_operands = 10 : i64, tpu.core_type = #tpu.core_type<sc_vector_subcore>, window_params = [{transform_indices = #map}, {transform_indices = #map}, {transform_indices = #map}, {transform_indices = #map1}]} {
    %mul3A = arith.constant 16 : i32
    %mul3A_0 = arith.muli %arg0, %mul3A : i32
    %add3A = arith.addi %mul3A_0, %arg1 : i32
    %mul3A_1 = arith.constant 640 : i32
    %mul3A_2 = arith.muli %arg1, %mul3A_1 : i32
    %add3A_3 = arith.constant 0 : i32
    %add3A_4 = arith.addi %mul3A_2, %add3A_3 : i32
    "tpu.region"() ({
      %run_scoped3A = tpu.sem_alloc : memref<!tpu.dma_semaphore, #tpu.memory_space<semaphore_mem>>
      %dma_start3A_101 = arith.constant 0 : i32
      %dma_start3A_102 = tpu.memref_slice %arg2[%add3A_4, %dma_start3A_101] : memref<10240x64xf32, #tpu.memory_space<hbm>> -> memref<128x64xf32, #tpu.memory_space<hbm>>
      %dma_start3A_103 = arith.constant 0 : i32
      %dma_start3A_104 = tpu.memref_slice %arg2[%add3A_4, %dma_start3A_103] : memref<10240x64xf32, #tpu.memory_space<hbm>> -> memref<128x64xf32, #tpu.memory_space<hbm>>
      tpu.enqueue_dma source(%dma_start3A_104 : memref<128x64xf32, #tpu.memory_space<hbm>>) target(%arg8 : memref<128x64xf32, #tpu.memory_space<vmem>>) target_semaphore(%run_scoped3A : memref<!tpu.dma_semaphore, #tpu.memory_space<semaphore_mem>>)
      %dma_wait3A_105 = arith.constant 0 : i32
      %dma_wait3A_106 = tpu.memref_slice %arg2[%add3A_4, %dma_wait3A_105] : memref<10240x64xf32, #tpu.memory_space<hbm>> -> memref<128x64xf32, #tpu.memory_space<hbm>>
      %dma_wait3A_107 = arith.constant 0 : i32
      %dma_wait3A_108 = tpu.memref_slice %arg2[%add3A_4, %dma_wait3A_107] : memref<10240x64xf32, #tpu.memory_space<hbm>> -> memref<128x64xf32, #tpu.memory_space<hbm>>
      tpu.wait_dma2 semaphore(%run_scoped3A : memref<!tpu.dma_semaphore, #tpu.memory_space<semaphore_mem>>) src(%dma_wait3A_108 : memref<128x64xf32, #tpu.memory_space<hbm>>) dst(%arg8 : memref<128x64xf32, #tpu.memory_space<vmem>>)
      tpu.yield
    }) : () -> ()
    %mul3A_5 = arith.constant 640 : i32
    %mul3A_6 = arith.muli %arg1, %mul3A_5 : i32
    %add3A_7 = arith.constant 0 : i32
    %add3A_8 = arith.addi %mul3A_6, %add3A_7 : i32
    "tpu.region"() ({
      %run_scoped3A = tpu.sem_alloc : memref<!tpu.dma_semaphore, #tpu.memory_space<semaphore_mem>>
      %dma_start3A_101 = arith.constant 0 : i32
      %dma_start3A_102 = tpu.memref_slice %arg10[%add3A_8, %dma_start3A_101] : memref<10240x64xf32, #tpu.memory_space<vmem_shared>> -> memref<128x64xf32, #tpu.memory_space<vmem_shared>>
      %dma_start3A_103 = arith.constant 0 : i32
      %dma_start3A_104 = tpu.memref_slice %arg10[%add3A_8, %dma_start3A_103] : memref<10240x64xf32, #tpu.memory_space<vmem_shared>> -> memref<128x64xf32, #tpu.memory_space<vmem_shared>>
      tpu.enqueue_dma source(%arg8 : memref<128x64xf32, #tpu.memory_space<vmem>>) target(%dma_start3A_104 : memref<128x64xf32, #tpu.memory_space<vmem_shared>>) target_semaphore(%run_scoped3A : memref<!tpu.dma_semaphore, #tpu.memory_space<semaphore_mem>>)
      %dma_wait3A_105 = arith.constant 0 : i32
      %dma_wait3A_106 = tpu.memref_slice %arg10[%add3A_8, %dma_wait3A_105] : memref<10240x64xf32, #tpu.memory_space<vmem_shared>> -> memref<128x64xf32, #tpu.memory_space<vmem_shared>>
      %dma_wait3A_107 = arith.constant 0 : i32
      %dma_wait3A_108 = tpu.memref_slice %arg10[%add3A_8, %dma_wait3A_107] : memref<10240x64xf32, #tpu.memory_space<vmem_shared>> -> memref<128x64xf32, #tpu.memory_space<vmem_shared>>
      tpu.wait_dma2 semaphore(%run_scoped3A : memref<!tpu.dma_semaphore, #tpu.memory_space<semaphore_mem>>) src(%arg8 : memref<128x64xf32, #tpu.memory_space<vmem>>) dst(%dma_wait3A_108 : memref<128x64xf32, #tpu.memory_space<vmem_shared>>)
      tpu.yield
    }) : () -> ()
    %mul3A_9 = arith.constant 640 : i32
    %mul3A_10 = arith.muli %arg1, %mul3A_9 : i32
    %add3A_11 = arith.constant 0 : i32
    %add3A_12 = arith.addi %mul3A_10, %add3A_11 : i32
    "tpu.region"() ({
      %run_scoped3A = tpu.sem_alloc : memref<!tpu.dma_semaphore, #tpu.memory_space<semaphore_mem>>
      %dma_start3A_101 = arith.constant 0 : i32
      %dma_start3A_102 = tpu.memref_slice %arg11[%add3A_12, %dma_start3A_101] : memref<10240x64xf32, #tpu.memory_space<vmem_shared>> -> memref<128x64xf32, #tpu.memory_space<vmem_shared>>
      %dma_start3A_103 = arith.constant 0 : i32
      %dma_start3A_104 = tpu.memref_slice %arg11[%add3A_12, %dma_start3A_103] : memref<10240x64xf32, #tpu.memory_space<vmem_shared>> -> memref<128x64xf32, #tpu.memory_space<vmem_shared>>
      tpu.enqueue_dma source(%arg8 : memref<128x64xf32, #tpu.memory_space<vmem>>) target(%dma_start3A_104 : memref<128x64xf32, #tpu.memory_space<vmem_shared>>) target_semaphore(%run_scoped3A : memref<!tpu.dma_semaphore, #tpu.memory_space<semaphore_mem>>)
      %dma_wait3A_105 = arith.constant 0 : i32
      %dma_wait3A_106 = tpu.memref_slice %arg11[%add3A_12, %dma_wait3A_105] : memref<10240x64xf32, #tpu.memory_space<vmem_shared>> -> memref<128x64xf32, #tpu.memory_space<vmem_shared>>
      %dma_wait3A_107 = arith.constant 0 : i32
      %dma_wait3A_108 = tpu.memref_slice %arg11[%add3A_12, %dma_wait3A_107] : memref<10240x64xf32, #tpu.memory_space<vmem_shared>> -> memref<128x64xf32, #tpu.memory_space<vmem_shared>>
      tpu.wait_dma2 semaphore(%run_scoped3A : memref<!tpu.dma_semaphore, #tpu.memory_space<semaphore_mem>>) src(%arg8 : memref<128x64xf32, #tpu.memory_space<vmem>>) dst(%dma_wait3A_108 : memref<128x64xf32, #tpu.memory_space<vmem_shared>>)
      tpu.yield
    }) : () -> ()
    %mul3A_13 = arith.constant 640 : i32
    %mul3A_14 = arith.muli %arg1, %mul3A_13 : i32
    %add3A_15 = arith.constant 128 : i32
    %add3A_16 = arith.addi %mul3A_14, %add3A_15 : i32
    "tpu.region"() ({
      %run_scoped3A = tpu.sem_alloc : memref<!tpu.dma_semaphore, #tpu.memory_space<semaphore_mem>>
      %dma_start3A_101 = arith.constant 0 : i32
      %dma_start3A_102 = tpu.memref_slice %arg2[%add3A_16, %dma_start3A_101] : memref<10240x64xf32, #tpu.memory_space<hbm>> -> memref<128x64xf32, #tpu.memory_space<hbm>>
      %dma_start3A_103 = arith.constant 0 : i32
      %dma_start3A_104 = tpu.memref_slice %arg2[%add3A_16, %dma_start3A_103] : memref<10240x64xf32, #tpu.memory_space<hbm>> -> memref<128x64xf32, #tpu.memory_space<hbm>>
      tpu.enqueue_dma source(%dma_start3A_104 : memref<128x64xf32, #tpu.memory_space<hbm>>) target(%arg8 : memref<128x64xf32, #tpu.memory_space<vmem>>) target_semaphore(%run_scoped3A : memref<!tpu.dma_semaphore, #tpu.memory_space<semaphore_mem>>)
      %dma_wait3A_105 = arith.constant 0 : i32
      %dma_wait3A_106 = tpu.memref_slice %arg2[%add3A_16, %dma_wait3A_105] : memref<10240x64xf32, #tpu.memory_space<hbm>> -> memref<128x64xf32, #tpu.memory_space<hbm>>
      %dma_wait3A_107 = arith.constant 0 : i32
      %dma_wait3A_108 = tpu.memref_slice %arg2[%add3A_16, %dma_wait3A_107] : memref<10240x64xf32, #tpu.memory_space<hbm>> -> memref<128x64xf32, #tpu.memory_space<hbm>>
      tpu.wait_dma2 semaphore(%run_scoped3A : memref<!tpu.dma_semaphore, #tpu.memory_space<semaphore_mem>>) src(%dma_wait3A_108 : memref<128x64xf32, #tpu.memory_space<hbm>>) dst(%arg8 : memref<128x64xf32, #tpu.memory_space<vmem>>)
      tpu.yield
    }) : () -> ()
    %mul3A_17 = arith.constant 640 : i32
    %mul3A_18 = arith.muli %arg1, %mul3A_17 : i32
    %add3A_19 = arith.constant 128 : i32
    %add3A_20 = arith.addi %mul3A_18, %add3A_19 : i32
    "tpu.region"() ({
      %run_scoped3A = tpu.sem_alloc : memref<!tpu.dma_semaphore, #tpu.memory_space<semaphore_mem>>
      %dma_start3A_101 = arith.constant 0 : i32
      %dma_start3A_102 = tpu.memref_slice %arg10[%add3A_20, %dma_start3A_101] : memref<10240x64xf32, #tpu.memory_space<vmem_shared>> -> memref<128x64xf32, #tpu.memory_space<vmem_shared>>
      %dma_start3A_103 = arith.constant 0 : i32
      %dma_start3A_104 = tpu.memref_slice %arg10[%add3A_20, %dma_start3A_103] : memref<10240x64xf32, #tpu.memory_space<vmem_shared>> -> memref<128x64xf32, #tpu.memory_space<vmem_shared>>
      tpu.enqueue_dma source(%arg8 : memref<128x64xf32, #tpu.memory_space<vmem>>) target(%dma_start3A_104 : memref<128x64xf32, #tpu.memory_space<vmem_shared>>) target_semaphore(%run_scoped3A : memref<!tpu.dma_semaphore, #tpu.memory_space<semaphore_mem>>)
      %dma_wait3A_105 = arith.constant 0 : i32
      %dma_wait3A_106 = tpu.memref_slice %arg10[%add3A_20, %dma_wait3A_105] : memref<10240x64xf32, #tpu.memory_space<vmem_shared>> -> memref<128x64xf32, #tpu.memory_space<vmem_shared>>
      %dma_wait3A_107 = arith.constant 0 : i32
      %dma_wait3A_108 = tpu.memref_slice %arg10[%add3A_20, %dma_wait3A_107] : memref<10240x64xf32, #tpu.memory_space<vmem_shared>> -> memref<128x64xf32, #tpu.memory_space<vmem_shared>>
      tpu.wait_dma2 semaphore(%run_scoped3A : memref<!tpu.dma_semaphore, #tpu.memory_space<semaphore_mem>>) src(%arg8 : memref<128x64xf32, #tpu.memory_space<vmem>>) dst(%dma_wait3A_108 : memref<128x64xf32, #tpu.memory_space<vmem_shared>>)
      tpu.yield
    }) : () -> ()
    %mul3A_21 = arith.constant 640 : i32
    %mul3A_22 = arith.muli %arg1, %mul3A_21 : i32
    %add3A_23 = arith.constant 128 : i32
    %add3A_24 = arith.addi %mul3A_22, %add3A_23 : i32
    "tpu.region"() ({
      %run_scoped3A = tpu.sem_alloc : memref<!tpu.dma_semaphore, #tpu.memory_space<semaphore_mem>>
      %dma_start3A_101 = arith.constant 0 : i32
      %dma_start3A_102 = tpu.memref_slice %arg11[%add3A_24, %dma_start3A_101] : memref<10240x64xf32, #tpu.memory_space<vmem_shared>> -> memref<128x64xf32, #tpu.memory_space<vmem_shared>>
      %dma_start3A_103 = arith.constant 0 : i32
      %dma_start3A_104 = tpu.memref_slice %arg11[%add3A_24, %dma_start3A_103] : memref<10240x64xf32, #tpu.memory_space<vmem_shared>> -> memref<128x64xf32, #tpu.memory_space<vmem_shared>>
      tpu.enqueue_dma source(%arg8 : memref<128x64xf32, #tpu.memory_space<vmem>>) target(%dma_start3A_104 : memref<128x64xf32, #tpu.memory_space<vmem_shared>>) target_semaphore(%run_scoped3A : memref<!tpu.dma_semaphore, #tpu.memory_space<semaphore_mem>>)
      %dma_wait3A_105 = arith.constant 0 : i32
      %dma_wait3A_106 = tpu.memref_slice %arg11[%add3A_24, %dma_wait3A_105] : memref<10240x64xf32, #tpu.memory_space<vmem_shared>> -> memref<128x64xf32, #tpu.memory_space<vmem_shared>>
      %dma_wait3A_107 = arith.constant 0 : i32
      %dma_wait3A_108 = tpu.memref_slice %arg11[%add3A_24, %dma_wait3A_107] : memref<10240x64xf32, #tpu.memory_space<vmem_shared>> -> memref<128x64xf32, #tpu.memory_space<vmem_shared>>
      tpu.wait_dma2 semaphore(%run_scoped3A : memref<!tpu.dma_semaphore, #tpu.memory_space<semaphore_mem>>) src(%arg8 : memref<128x64xf32, #tpu.memory_space<vmem>>) dst(%dma_wait3A_108 : memref<128x64xf32, #tpu.memory_space<vmem_shared>>)
      tpu.yield
    }) : () -> ()
    %mul3A_25 = arith.constant 640 : i32
    %mul3A_26 = arith.muli %arg1, %mul3A_25 : i32
    %add3A_27 = arith.constant 256 : i32
    %add3A_28 = arith.addi %mul3A_26, %add3A_27 : i32
    "tpu.region"() ({
      %run_scoped3A = tpu.sem_alloc : memref<!tpu.dma_semaphore, #tpu.memory_space<semaphore_mem>>
      %dma_start3A_101 = arith.constant 0 : i32
      %dma_start3A_102 = tpu.memref_slice %arg2[%add3A_28, %dma_start3A_101] : memref<10240x64xf32, #tpu.memory_space<hbm>> -> memref<128x64xf32, #tpu.memory_space<hbm>>
      %dma_start3A_103 = arith.constant 0 : i32
      %dma_start3A_104 = tpu.memref_slice %arg2[%add3A_28, %dma_start3A_103] : memref<10240x64xf32, #tpu.memory_space<hbm>> -> memref<128x64xf32, #tpu.memory_space<hbm>>
      tpu.enqueue_dma source(%dma_start3A_104 : memref<128x64xf32, #tpu.memory_space<hbm>>) target(%arg8 : memref<128x64xf32, #tpu.memory_space<vmem>>) target_semaphore(%run_scoped3A : memref<!tpu.dma_semaphore, #tpu.memory_space<semaphore_mem>>)
      %dma_wait3A_105 = arith.constant 0 : i32
      %dma_wait3A_106 = tpu.memref_slice %arg2[%add3A_28, %dma_wait3A_105] : memref<10240x64xf32, #tpu.memory_space<hbm>> -> memref<128x64xf32, #tpu.memory_space<hbm>>
      %dma_wait3A_107 = arith.constant 0 : i32
      %dma_wait3A_108 = tpu.memref_slice %arg2[%add3A_28, %dma_wait3A_107] : memref<10240x64xf32, #tpu.memory_space<hbm>> -> memref<128x64xf32, #tpu.memory_space<hbm>>
      tpu.wait_dma2 semaphore(%run_scoped3A : memref<!tpu.dma_semaphore, #tpu.memory_space<semaphore_mem>>) src(%dma_wait3A_108 : memref<128x64xf32, #tpu.memory_space<hbm>>) dst(%arg8 : memref<128x64xf32, #tpu.memory_space<vmem>>)
      tpu.yield
    }) : () -> ()
    %mul3A_29 = arith.constant 640 : i32
    %mul3A_30 = arith.muli %arg1, %mul3A_29 : i32
    %add3A_31 = arith.constant 256 : i32
    %add3A_32 = arith.addi %mul3A_30, %add3A_31 : i32
    "tpu.region"() ({
      %run_scoped3A = tpu.sem_alloc : memref<!tpu.dma_semaphore, #tpu.memory_space<semaphore_mem>>
      %dma_start3A_101 = arith.constant 0 : i32
      %dma_start3A_102 = tpu.memref_slice %arg10[%add3A_32, %dma_start3A_101] : memref<10240x64xf32, #tpu.memory_space<vmem_shared>> -> memref<128x64xf32, #tpu.memory_space<vmem_shared>>
      %dma_start3A_103 = arith.constant 0 : i32
      %dma_start3A_104 = tpu.memref_slice %arg10[%add3A_32, %dma_start3A_103] : memref<10240x64xf32, #tpu.memory_space<vmem_shared>> -> memref<128x64xf32, #tpu.memory_space<vmem_shared>>
      tpu.enqueue_dma source(%arg8 : memref<128x64xf32, #tpu.memory_space<vmem>>) target(%dma_start3A_104 : memref<128x64xf32, #tpu.memory_space<vmem_shared>>) target_semaphore(%run_scoped3A : memref<!tpu.dma_semaphore, #tpu.memory_space<semaphore_mem>>)
      %dma_wait3A_105 = arith.constant 0 : i32
      %dma_wait3A_106 = tpu.memref_slice %arg10[%add3A_32, %dma_wait3A_105] : memref<10240x64xf32, #tpu.memory_space<vmem_shared>> -> memref<128x64xf32, #tpu.memory_space<vmem_shared>>
      %dma_wait3A_107 = arith.constant 0 : i32
      %dma_wait3A_108 = tpu.memref_slice %arg10[%add3A_32, %dma_wait3A_107] : memref<10240x64xf32, #tpu.memory_space<vmem_shared>> -> memref<128x64xf32, #tpu.memory_space<vmem_shared>>
      tpu.wait_dma2 semaphore(%run_scoped3A : memref<!tpu.dma_semaphore, #tpu.memory_space<semaphore_mem>>) src(%arg8 : memref<128x64xf32, #tpu.memory_space<vmem>>) dst(%dma_wait3A_108 : memref<128x64xf32, #tpu.memory_space<vmem_shared>>)
      tpu.yield
    }) : () -> ()
    %mul3A_33 = arith.constant 640 : i32
    %mul3A_34 = arith.muli %arg1, %mul3A_33 : i32
    %add3A_35 = arith.constant 256 : i32
    %add3A_36 = arith.addi %mul3A_34, %add3A_35 : i32
    "tpu.region"() ({
      %run_scoped3A = tpu.sem_alloc : memref<!tpu.dma_semaphore, #tpu.memory_space<semaphore_mem>>
      %dma_start3A_101 = arith.constant 0 : i32
      %dma_start3A_102 = tpu.memref_slice %arg11[%add3A_36, %dma_start3A_101] : memref<10240x64xf32, #tpu.memory_space<vmem_shared>> -> memref<128x64xf32, #tpu.memory_space<vmem_shared>>
      %dma_start3A_103 = arith.constant 0 : i32
      %dma_start3A_104 = tpu.memref_slice %arg11[%add3A_36, %dma_start3A_103] : memref<10240x64xf32, #tpu.memory_space<vmem_shared>> -> memref<128x64xf32, #tpu.memory_space<vmem_shared>>
      tpu.enqueue_dma source(%arg8 : memref<128x64xf32, #tpu.memory_space<vmem>>) target(%dma_start3A_104 : memref<128x64xf32, #tpu.memory_space<vmem_shared>>) target_semaphore(%run_scoped3A : memref<!tpu.dma_semaphore, #tpu.memory_space<semaphore_mem>>)
      %dma_wait3A_105 = arith.constant 0 : i32
      %dma_wait3A_106 = tpu.memref_slice %arg11[%add3A_36, %dma_wait3A_105] : memref<10240x64xf32, #tpu.memory_space<vmem_shared>> -> memref<128x64xf32, #tpu.memory_space<vmem_shared>>
      %dma_wait3A_107 = arith.constant 0 : i32
      %dma_wait3A_108 = tpu.memref_slice %arg11[%add3A_36, %dma_wait3A_107] : memref<10240x64xf32, #tpu.memory_space<vmem_shared>> -> memref<128x64xf32, #tpu.memory_space<vmem_shared>>
      tpu.wait_dma2 semaphore(%run_scoped3A : memref<!tpu.dma_semaphore, #tpu.memory_space<semaphore_mem>>) src(%arg8 : memref<128x64xf32, #tpu.memory_space<vmem>>) dst(%dma_wait3A_108 : memref<128x64xf32, #tpu.memory_space<vmem_shared>>)
      tpu.yield
    }) : () -> ()
    %mul3A_37 = arith.constant 640 : i32
    %mul3A_38 = arith.muli %arg1, %mul3A_37 : i32
    %add3A_39 = arith.constant 384 : i32
    %add3A_40 = arith.addi %mul3A_38, %add3A_39 : i32
    "tpu.region"() ({
      %run_scoped3A = tpu.sem_alloc : memref<!tpu.dma_semaphore, #tpu.memory_space<semaphore_mem>>
      %dma_start3A_101 = arith.constant 0 : i32
      %dma_start3A_102 = tpu.memref_slice %arg2[%add3A_40, %dma_start3A_101] : memref<10240x64xf32, #tpu.memory_space<hbm>> -> memref<128x64xf32, #tpu.memory_space<hbm>>
      %dma_start3A_103 = arith.constant 0 : i32
      %dma_start3A_104 = tpu.memref_slice %arg2[%add3A_40, %dma_start3A_103] : memref<10240x64xf32, #tpu.memory_space<hbm>> -> memref<128x64xf32, #tpu.memory_space<hbm>>
      tpu.enqueue_dma source(%dma_start3A_104 : memref<128x64xf32, #tpu.memory_space<hbm>>) target(%arg8 : memref<128x64xf32, #tpu.memory_space<vmem>>) target_semaphore(%run_scoped3A : memref<!tpu.dma_semaphore, #tpu.memory_space<semaphore_mem>>)
      %dma_wait3A_105 = arith.constant 0 : i32
      %dma_wait3A_106 = tpu.memref_slice %arg2[%add3A_40, %dma_wait3A_105] : memref<10240x64xf32, #tpu.memory_space<hbm>> -> memref<128x64xf32, #tpu.memory_space<hbm>>
      %dma_wait3A_107 = arith.constant 0 : i32
      %dma_wait3A_108 = tpu.memref_slice %arg2[%add3A_40, %dma_wait3A_107] : memref<10240x64xf32, #tpu.memory_space<hbm>> -> memref<128x64xf32, #tpu.memory_space<hbm>>
      tpu.wait_dma2 semaphore(%run_scoped3A : memref<!tpu.dma_semaphore, #tpu.memory_space<semaphore_mem>>) src(%dma_wait3A_108 : memref<128x64xf32, #tpu.memory_space<hbm>>) dst(%arg8 : memref<128x64xf32, #tpu.memory_space<vmem>>)
      tpu.yield
    }) : () -> ()
    %mul3A_41 = arith.constant 640 : i32
    %mul3A_42 = arith.muli %arg1, %mul3A_41 : i32
    %add3A_43 = arith.constant 384 : i32
    %add3A_44 = arith.addi %mul3A_42, %add3A_43 : i32
    "tpu.region"() ({
      %run_scoped3A = tpu.sem_alloc : memref<!tpu.dma_semaphore, #tpu.memory_space<semaphore_mem>>
      %dma_start3A_101 = arith.constant 0 : i32
      %dma_start3A_102 = tpu.memref_slice %arg10[%add3A_44, %dma_start3A_101] : memref<10240x64xf32, #tpu.memory_space<vmem_shared>> -> memref<128x64xf32, #tpu.memory_space<vmem_shared>>
      %dma_start3A_103 = arith.constant 0 : i32
      %dma_start3A_104 = tpu.memref_slice %arg10[%add3A_44, %dma_start3A_103] : memref<10240x64xf32, #tpu.memory_space<vmem_shared>> -> memref<128x64xf32, #tpu.memory_space<vmem_shared>>
      tpu.enqueue_dma source(%arg8 : memref<128x64xf32, #tpu.memory_space<vmem>>) target(%dma_start3A_104 : memref<128x64xf32, #tpu.memory_space<vmem_shared>>) target_semaphore(%run_scoped3A : memref<!tpu.dma_semaphore, #tpu.memory_space<semaphore_mem>>)
      %dma_wait3A_105 = arith.constant 0 : i32
      %dma_wait3A_106 = tpu.memref_slice %arg10[%add3A_44, %dma_wait3A_105] : memref<10240x64xf32, #tpu.memory_space<vmem_shared>> -> memref<128x64xf32, #tpu.memory_space<vmem_shared>>
      %dma_wait3A_107 = arith.constant 0 : i32
      %dma_wait3A_108 = tpu.memref_slice %arg10[%add3A_44, %dma_wait3A_107] : memref<10240x64xf32, #tpu.memory_space<vmem_shared>> -> memref<128x64xf32, #tpu.memory_space<vmem_shared>>
      tpu.wait_dma2 semaphore(%run_scoped3A : memref<!tpu.dma_semaphore, #tpu.memory_space<semaphore_mem>>) src(%arg8 : memref<128x64xf32, #tpu.memory_space<vmem>>) dst(%dma_wait3A_108 : memref<128x64xf32, #tpu.memory_space<vmem_shared>>)
      tpu.yield
    }) : () -> ()
    %mul3A_45 = arith.constant 640 : i32
    %mul3A_46 = arith.muli %arg1, %mul3A_45 : i32
    %add3A_47 = arith.constant 384 : i32
    %add3A_48 = arith.addi %mul3A_46, %add3A_47 : i32
    "tpu.region"() ({
      %run_scoped3A = tpu.sem_alloc : memref<!tpu.dma_semaphore, #tpu.memory_space<semaphore_mem>>
      %dma_start3A_101 = arith.constant 0 : i32
      %dma_start3A_102 = tpu.memref_slice %arg11[%add3A_48, %dma_start3A_101] : memref<10240x64xf32, #tpu.memory_space<vmem_shared>> -> memref<128x64xf32, #tpu.memory_space<vmem_shared>>
      %dma_start3A_103 = arith.constant 0 : i32
      %dma_start3A_104 = tpu.memref_slice %arg11[%add3A_48, %dma_start3A_103] : memref<10240x64xf32, #tpu.memory_space<vmem_shared>> -> memref<128x64xf32, #tpu.memory_space<vmem_shared>>
      tpu.enqueue_dma source(%arg8 : memref<128x64xf32, #tpu.memory_space<vmem>>) target(%dma_start3A_104 : memref<128x64xf32, #tpu.memory_space<vmem_shared>>) target_semaphore(%run_scoped3A : memref<!tpu.dma_semaphore, #tpu.memory_space<semaphore_mem>>)
      %dma_wait3A_105 = arith.constant 0 : i32
      %dma_wait3A_106 = tpu.memref_slice %arg11[%add3A_48, %dma_wait3A_105] : memref<10240x64xf32, #tpu.memory_space<vmem_shared>> -> memref<128x64xf32, #tpu.memory_space<vmem_shared>>
      %dma_wait3A_107 = arith.constant 0 : i32
      %dma_wait3A_108 = tpu.memref_slice %arg11[%add3A_48, %dma_wait3A_107] : memref<10240x64xf32, #tpu.memory_space<vmem_shared>> -> memref<128x64xf32, #tpu.memory_space<vmem_shared>>
      tpu.wait_dma2 semaphore(%run_scoped3A : memref<!tpu.dma_semaphore, #tpu.memory_space<semaphore_mem>>) src(%arg8 : memref<128x64xf32, #tpu.memory_space<vmem>>) dst(%dma_wait3A_108 : memref<128x64xf32, #tpu.memory_space<vmem_shared>>)
      tpu.yield
    }) : () -> ()
    %mul3A_49 = arith.constant 640 : i32
    %mul3A_50 = arith.muli %arg1, %mul3A_49 : i32
    %add3A_51 = arith.constant 512 : i32
    %add3A_52 = arith.addi %mul3A_50, %add3A_51 : i32
    "tpu.region"() ({
      %run_scoped3A = tpu.sem_alloc : memref<!tpu.dma_semaphore, #tpu.memory_space<semaphore_mem>>
      %dma_start3A_101 = arith.constant 0 : i32
      %dma_start3A_102 = tpu.memref_slice %arg2[%add3A_52, %dma_start3A_101] : memref<10240x64xf32, #tpu.memory_space<hbm>> -> memref<128x64xf32, #tpu.memory_space<hbm>>
      %dma_start3A_103 = arith.constant 0 : i32
      %dma_start3A_104 = tpu.memref_slice %arg2[%add3A_52, %dma_start3A_103] : memref<10240x64xf32, #tpu.memory_space<hbm>> -> memref<128x64xf32, #tpu.memory_space<hbm>>
      tpu.enqueue_dma source(%dma_start3A_104 : memref<128x64xf32, #tpu.memory_space<hbm>>) target(%arg8 : memref<128x64xf32, #tpu.memory_space<vmem>>) target_semaphore(%run_scoped3A : memref<!tpu.dma_semaphore, #tpu.memory_space<semaphore_mem>>)
      %dma_wait3A_105 = arith.constant 0 : i32
      %dma_wait3A_106 = tpu.memref_slice %arg2[%add3A_52, %dma_wait3A_105] : memref<10240x64xf32, #tpu.memory_space<hbm>> -> memref<128x64xf32, #tpu.memory_space<hbm>>
      %dma_wait3A_107 = arith.constant 0 : i32
      %dma_wait3A_108 = tpu.memref_slice %arg2[%add3A_52, %dma_wait3A_107] : memref<10240x64xf32, #tpu.memory_space<hbm>> -> memref<128x64xf32, #tpu.memory_space<hbm>>
      tpu.wait_dma2 semaphore(%run_scoped3A : memref<!tpu.dma_semaphore, #tpu.memory_space<semaphore_mem>>) src(%dma_wait3A_108 : memref<128x64xf32, #tpu.memory_space<hbm>>) dst(%arg8 : memref<128x64xf32, #tpu.memory_space<vmem>>)
      tpu.yield
    }) : () -> ()
    %mul3A_53 = arith.constant 640 : i32
    %mul3A_54 = arith.muli %arg1, %mul3A_53 : i32
    %add3A_55 = arith.constant 512 : i32
    %add3A_56 = arith.addi %mul3A_54, %add3A_55 : i32
    "tpu.region"() ({
      %run_scoped3A = tpu.sem_alloc : memref<!tpu.dma_semaphore, #tpu.memory_space<semaphore_mem>>
      %dma_start3A_101 = arith.constant 0 : i32
      %dma_start3A_102 = tpu.memref_slice %arg10[%add3A_56, %dma_start3A_101] : memref<10240x64xf32, #tpu.memory_space<vmem_shared>> -> memref<128x64xf32, #tpu.memory_space<vmem_shared>>
      %dma_start3A_103 = arith.constant 0 : i32
      %dma_start3A_104 = tpu.memref_slice %arg10[%add3A_56, %dma_start3A_103] : memref<10240x64xf32, #tpu.memory_space<vmem_shared>> -> memref<128x64xf32, #tpu.memory_space<vmem_shared>>
      tpu.enqueue_dma source(%arg8 : memref<128x64xf32, #tpu.memory_space<vmem>>) target(%dma_start3A_104 : memref<128x64xf32, #tpu.memory_space<vmem_shared>>) target_semaphore(%run_scoped3A : memref<!tpu.dma_semaphore, #tpu.memory_space<semaphore_mem>>)
      %dma_wait3A_105 = arith.constant 0 : i32
      %dma_wait3A_106 = tpu.memref_slice %arg10[%add3A_56, %dma_wait3A_105] : memref<10240x64xf32, #tpu.memory_space<vmem_shared>> -> memref<128x64xf32, #tpu.memory_space<vmem_shared>>
      %dma_wait3A_107 = arith.constant 0 : i32
      %dma_wait3A_108 = tpu.memref_slice %arg10[%add3A_56, %dma_wait3A_107] : memref<10240x64xf32, #tpu.memory_space<vmem_shared>> -> memref<128x64xf32, #tpu.memory_space<vmem_shared>>
      tpu.wait_dma2 semaphore(%run_scoped3A : memref<!tpu.dma_semaphore, #tpu.memory_space<semaphore_mem>>) src(%arg8 : memref<128x64xf32, #tpu.memory_space<vmem>>) dst(%dma_wait3A_108 : memref<128x64xf32, #tpu.memory_space<vmem_shared>>)
      tpu.yield
    }) : () -> ()
    %mul3A_57 = arith.constant 640 : i32
    %mul3A_58 = arith.muli %arg1, %mul3A_57 : i32
    %add3A_59 = arith.constant 512 : i32
    %add3A_60 = arith.addi %mul3A_58, %add3A_59 : i32
    "tpu.region"() ({
      %run_scoped3A = tpu.sem_alloc : memref<!tpu.dma_semaphore, #tpu.memory_space<semaphore_mem>>
      %dma_start3A_101 = arith.constant 0 : i32
      %dma_start3A_102 = tpu.memref_slice %arg11[%add3A_60, %dma_start3A_101] : memref<10240x64xf32, #tpu.memory_space<vmem_shared>> -> memref<128x64xf32, #tpu.memory_space<vmem_shared>>
      %dma_start3A_103 = arith.constant 0 : i32
      %dma_start3A_104 = tpu.memref_slice %arg11[%add3A_60, %dma_start3A_103] : memref<10240x64xf32, #tpu.memory_space<vmem_shared>> -> memref<128x64xf32, #tpu.memory_space<vmem_shared>>
      tpu.enqueue_dma source(%arg8 : memref<128x64xf32, #tpu.memory_space<vmem>>) target(%dma_start3A_104 : memref<128x64xf32, #tpu.memory_space<vmem_shared>>) target_semaphore(%run_scoped3A : memref<!tpu.dma_semaphore, #tpu.memory_space<semaphore_mem>>)
      %dma_wait3A_105 = arith.constant 0 : i32
      %dma_wait3A_106 = tpu.memref_slice %arg11[%add3A_60, %dma_wait3A_105] : memref<10240x64xf32, #tpu.memory_space<vmem_shared>> -> memref<128x64xf32, #tpu.memory_space<vmem_shared>>
      %dma_wait3A_107 = arith.constant 0 : i32
      %dma_wait3A_108 = tpu.memref_slice %arg11[%add3A_60, %dma_wait3A_107] : memref<10240x64xf32, #tpu.memory_space<vmem_shared>> -> memref<128x64xf32, #tpu.memory_space<vmem_shared>>
      tpu.wait_dma2 semaphore(%run_scoped3A : memref<!tpu.dma_semaphore, #tpu.memory_space<semaphore_mem>>) src(%arg8 : memref<128x64xf32, #tpu.memory_space<vmem>>) dst(%dma_wait3A_108 : memref<128x64xf32, #tpu.memory_space<vmem_shared>>)
      tpu.yield
    }) : () -> ()
    %mul3A_61 = arith.constant 80 : i32
    %mul3A_62 = arith.muli %add3A, %mul3A_61 : i32
    "tpu.region"() ({
      %run_scoped3A = tpu.sem_alloc : memref<!tpu.dma_semaphore, #tpu.memory_space<semaphore_mem>>
      %dma_start3A_101 = arith.constant 0 : i32
      %dma_start3A_102 = tpu.memref_slice %arg3[%mul3A_62, %dma_start3A_101] : memref<2560x128xi32, #tpu.memory_space<hbm>> -> memref<80x128xi32, #tpu.memory_space<hbm>>
      %dma_start3A_103 = arith.constant 0 : i32
      %dma_start3A_104 = tpu.memref_slice %arg3[%mul3A_62, %dma_start3A_103] : memref<2560x128xi32, #tpu.memory_space<hbm>> -> memref<80x128xi32, #tpu.memory_space<hbm>>
      tpu.enqueue_dma source(%dma_start3A_104 : memref<80x128xi32, #tpu.memory_space<hbm>>) target(%arg6 : memref<80x128xi32, #tpu.memory_space<vmem>>) target_semaphore(%run_scoped3A : memref<!tpu.dma_semaphore, #tpu.memory_space<semaphore_mem>>)
      %dma_wait3A_105 = arith.constant 0 : i32
      %dma_wait3A_106 = tpu.memref_slice %arg3[%mul3A_62, %dma_wait3A_105] : memref<2560x128xi32, #tpu.memory_space<hbm>> -> memref<80x128xi32, #tpu.memory_space<hbm>>
      %dma_wait3A_107 = arith.constant 0 : i32
      %dma_wait3A_108 = tpu.memref_slice %arg3[%mul3A_62, %dma_wait3A_107] : memref<2560x128xi32, #tpu.memory_space<hbm>> -> memref<80x128xi32, #tpu.memory_space<hbm>>
      tpu.wait_dma2 semaphore(%run_scoped3A : memref<!tpu.dma_semaphore, #tpu.memory_space<semaphore_mem>>) src(%dma_wait3A_108 : memref<80x128xi32, #tpu.memory_space<hbm>>) dst(%arg6 : memref<80x128xi32, #tpu.memory_space<vmem>>)
      tpu.yield
    }) : () -> ()
    %mul3A_63 = arith.constant 80 : i32
    %mul3A_64 = arith.muli %add3A, %mul3A_63 : i32
    "tpu.region"() ({
      %run_scoped3A = tpu.sem_alloc : memref<!tpu.dma_semaphore, #tpu.memory_space<semaphore_mem>>
      %dma_start3A_101 = arith.constant 0 : i32
      %dma_start3A_102 = tpu.memref_slice %arg4[%mul3A_64, %dma_start3A_101] : memref<2560x128xi32, #tpu.memory_space<hbm>> -> memref<80x128xi32, #tpu.memory_space<hbm>>
      %dma_start3A_103 = arith.constant 0 : i32
      %dma_start3A_104 = tpu.memref_slice %arg4[%mul3A_64, %dma_start3A_103] : memref<2560x128xi32, #tpu.memory_space<hbm>> -> memref<80x128xi32, #tpu.memory_space<hbm>>
      tpu.enqueue_dma source(%dma_start3A_104 : memref<80x128xi32, #tpu.memory_space<hbm>>) target(%arg7 : memref<80x128xi32, #tpu.memory_space<vmem>>) target_semaphore(%run_scoped3A : memref<!tpu.dma_semaphore, #tpu.memory_space<semaphore_mem>>)
      %dma_wait3A_105 = arith.constant 0 : i32
      %dma_wait3A_106 = tpu.memref_slice %arg4[%mul3A_64, %dma_wait3A_105] : memref<2560x128xi32, #tpu.memory_space<hbm>> -> memref<80x128xi32, #tpu.memory_space<hbm>>
      %dma_wait3A_107 = arith.constant 0 : i32
      %dma_wait3A_108 = tpu.memref_slice %arg4[%mul3A_64, %dma_wait3A_107] : memref<2560x128xi32, #tpu.memory_space<hbm>> -> memref<80x128xi32, #tpu.memory_space<hbm>>
      tpu.wait_dma2 semaphore(%run_scoped3A : memref<!tpu.dma_semaphore, #tpu.memory_space<semaphore_mem>>) src(%dma_wait3A_108 : memref<80x128xi32, #tpu.memory_space<hbm>>) dst(%arg7 : memref<80x128xi32, #tpu.memory_space<vmem>>)
      tpu.yield
    }) : () -> ()
    %barrier3A = arith.constant 0 : index
    tpu.barrier barrier_id(%barrier3A)
    %dma_start3A = arith.constant 0 : i32
    %dma_start3A_65 = arith.constant 0 : i32
    %dma_start3A_66 = tpu.memref_slice %arg6[%dma_start3A, %dma_start3A_65] : memref<80x128xi32, #tpu.memory_space<vmem>> -> memref<1x128xi32, #tpu.memory_space<vmem>>
    %dma_start3A_67 = tpu.memref_squeeze %dma_start3A_66 : memref<1x128xi32, #tpu.memory_space<vmem>> -> memref<128xi32, #tpu.memory_space<vmem>>
    %dma_start3A_68 = arith.constant 0 : i32
    %dma_start3A_69 = arith.constant 0 : i32
    %dma_start3A_70 = tpu.memref_slice %arg11[%dma_start3A_68, %dma_start3A_69] : memref<10240x64xf32, #tpu.memory_space<vmem_shared>> -> memref<10240x64xf32, #tpu.memory_space<vmem_shared>>
    tpu.enqueue_indirect_dma source(%dma_start3A_70 : memref<10240x64xf32, #tpu.memory_space<vmem_shared>>) target(%arg8 : memref<128x64xf32, #tpu.memory_space<vmem>>) offsets(%dma_start3A_67 : memref<128xi32, #tpu.memory_space<vmem>>) semaphore(%arg12 : memref<!tpu.dma_semaphore, #tpu.memory_space<semaphore_mem>>)
    %dma_start3A_71 = arith.constant 1 : i32
    %dma_start3A_72 = arith.constant 0 : i32
    %dma_start3A_73 = tpu.memref_slice %arg6[%dma_start3A_71, %dma_start3A_72] : memref<80x128xi32, #tpu.memory_space<vmem>> -> memref<1x128xi32, #tpu.memory_space<vmem>>
    %dma_start3A_74 = tpu.memref_squeeze %dma_start3A_73 : memref<1x128xi32, #tpu.memory_space<vmem>> -> memref<128xi32, #tpu.memory_space<vmem>>
    %dma_start3A_75 = arith.constant 0 : i32
    %dma_start3A_76 = arith.constant 0 : i32
    %dma_start3A_77 = tpu.memref_slice %arg11[%dma_start3A_75, %dma_start3A_76] : memref<10240x64xf32, #tpu.memory_space<vmem_shared>> -> memref<10240x64xf32, #tpu.memory_space<vmem_shared>>
    tpu.enqueue_indirect_dma source(%dma_start3A_77 : memref<10240x64xf32, #tpu.memory_space<vmem_shared>>) target(%arg9 : memref<128x64xf32, #tpu.memory_space<vmem>>) offsets(%dma_start3A_74 : memref<128xi32, #tpu.memory_space<vmem>>) semaphore(%arg13 : memref<!tpu.dma_semaphore, #tpu.memory_space<semaphore_mem>>)
    %scan3A = arith.constant 0 : i32
    %scan3A_78 = arith.constant 0 : i32
    %scan3A_79 = arith.constant 40 : i32
    %scan3A_80 = arith.addi %scan3A_78, %scan3A_79 : i32
    %scan3A_81 = arith.constant 1 : i32
    scf.for %scan3A_101 = %scan3A_78 to %scan3A_80 step %scan3A_81  : i32 {
      %mul3A_102 = arith.constant 2 : i32
      %mul3A_103 = arith.muli %mul3A_102, %scan3A_101 : i32
      %add3A_104 = arith.constant 0 : i32
      %add3A_105 = arith.addi %mul3A_103, %add3A_104 : i32
      %dma_wait3A_106 = arith.constant 0 : i32
      %dma_wait3A_107 = tpu.memref_slice %arg6[%add3A_105, %dma_wait3A_106] : memref<80x128xi32, #tpu.memory_space<vmem>> -> memref<1x128xi32, #tpu.memory_space<vmem>>
      %dma_wait3A_108 = tpu.memref_squeeze %dma_wait3A_107 : memref<1x128xi32, #tpu.memory_space<vmem>> -> memref<128xi32, #tpu.memory_space<vmem>>
      %dma_wait3A_109 = arith.constant 0 : i32
      %dma_wait3A_110 = arith.constant 0 : i32
      %dma_wait3A_111 = tpu.memref_slice %arg11[%dma_wait3A_109, %dma_wait3A_110] : memref<10240x64xf32, #tpu.memory_space<vmem_shared>> -> memref<10240x64xf32, #tpu.memory_space<vmem_shared>>
      tpu.wait_indirect_dma semaphore(%arg12 : memref<!tpu.dma_semaphore, #tpu.memory_space<semaphore_mem>>) src(%dma_wait3A_111 : memref<10240x64xf32, #tpu.memory_space<vmem_shared>>) dst(%arg8 : memref<128x64xf32, #tpu.memory_space<vmem>>)
      %add3A_112 = arith.constant 0 : i32
      %add3A_113 = arith.addi %mul3A_103, %add3A_112 : i32
      %dma_start3A_114 = arith.constant 0 : i32
      %dma_start3A_115 = tpu.memref_slice %arg7[%add3A_113, %dma_start3A_114] : memref<80x128xi32, #tpu.memory_space<vmem>> -> memref<1x128xi32, #tpu.memory_space<vmem>>
      %dma_start3A_116 = tpu.memref_squeeze %dma_start3A_115 : memref<1x128xi32, #tpu.memory_space<vmem>> -> memref<128xi32, #tpu.memory_space<vmem>>
      %dma_start3A_117 = arith.constant 0 : i32
      %dma_start3A_118 = arith.constant 0 : i32
      %dma_start3A_119 = tpu.memref_slice %arg10[%dma_start3A_117, %dma_start3A_118] : memref<10240x64xf32, #tpu.memory_space<vmem_shared>> -> memref<10240x64xf32, #tpu.memory_space<vmem_shared>>
      tpu.enqueue_indirect_dma source(%arg8 : memref<128x64xf32, #tpu.memory_space<vmem>>) target(%dma_start3A_119 : memref<10240x64xf32, #tpu.memory_space<vmem_shared>>) offsets(%dma_start3A_116 : memref<128xi32, #tpu.memory_space<vmem>>) semaphore(%arg14 : memref<!tpu.dma_semaphore, #tpu.memory_space<semaphore_mem>>) {add = true}
      %add3A_120 = arith.constant 1 : i32
      %add3A_121 = arith.addi %mul3A_103, %add3A_120 : i32
      %dma_wait3A_122 = arith.constant 0 : i32
      %dma_wait3A_123 = tpu.memref_slice %arg6[%add3A_121, %dma_wait3A_122] : memref<80x128xi32, #tpu.memory_space<vmem>> -> memref<1x128xi32, #tpu.memory_space<vmem>>
      %dma_wait3A_124 = tpu.memref_squeeze %dma_wait3A_123 : memref<1x128xi32, #tpu.memory_space<vmem>> -> memref<128xi32, #tpu.memory_space<vmem>>
      %dma_wait3A_125 = arith.constant 0 : i32
      %dma_wait3A_126 = arith.constant 0 : i32
      %dma_wait3A_127 = tpu.memref_slice %arg11[%dma_wait3A_125, %dma_wait3A_126] : memref<10240x64xf32, #tpu.memory_space<vmem_shared>> -> memref<10240x64xf32, #tpu.memory_space<vmem_shared>>
      tpu.wait_indirect_dma semaphore(%arg13 : memref<!tpu.dma_semaphore, #tpu.memory_space<semaphore_mem>>) src(%dma_wait3A_127 : memref<10240x64xf32, #tpu.memory_space<vmem_shared>>) dst(%arg9 : memref<128x64xf32, #tpu.memory_space<vmem>>)
      %add3A_128 = arith.constant 1 : i32
      %add3A_129 = arith.addi %mul3A_103, %add3A_128 : i32
      %dma_start3A_130 = arith.constant 0 : i32
      %dma_start3A_131 = tpu.memref_slice %arg7[%add3A_129, %dma_start3A_130] : memref<80x128xi32, #tpu.memory_space<vmem>> -> memref<1x128xi32, #tpu.memory_space<vmem>>
      %dma_start3A_132 = tpu.memref_squeeze %dma_start3A_131 : memref<1x128xi32, #tpu.memory_space<vmem>> -> memref<128xi32, #tpu.memory_space<vmem>>
      %dma_start3A_133 = arith.constant 0 : i32
      %dma_start3A_134 = arith.constant 0 : i32
      %dma_start3A_135 = tpu.memref_slice %arg10[%dma_start3A_133, %dma_start3A_134] : memref<10240x64xf32, #tpu.memory_space<vmem_shared>> -> memref<10240x64xf32, #tpu.memory_space<vmem_shared>>
      tpu.enqueue_indirect_dma source(%arg9 : memref<128x64xf32, #tpu.memory_space<vmem>>) target(%dma_start3A_135 : memref<10240x64xf32, #tpu.memory_space<vmem_shared>>) offsets(%dma_start3A_132 : memref<128xi32, #tpu.memory_space<vmem>>) semaphore(%arg15 : memref<!tpu.dma_semaphore, #tpu.memory_space<semaphore_mem>>) {add = true}
      %add3A_136 = arith.constant 0 : i32
      %add3A_137 = arith.addi %mul3A_103, %add3A_136 : i32
      %add3A_138 = arith.constant 2 : i32
      %add3A_139 = arith.addi %add3A_137, %add3A_138 : i32
      %lt3A = arith.constant 80 : i32
      %lt3A_140 = arith.cmpi slt, %add3A_139, %lt3A : i32
      %convert_element_type3A = arith.extui %lt3A_140 : i1 to i32
      %cond3A = arith.constant 0 : i32
      %cond3A_141 = arith.cmpi ne, %convert_element_type3A, %cond3A : i32
      scf.if %cond3A_141 {
        %add3A_151 = arith.constant 0 : i32
        %add3A_152 = arith.addi %mul3A_103, %add3A_151 : i32
        %dma_wait3A_153 = arith.constant 0 : i32
        %dma_wait3A_154 = tpu.memref_slice %arg7[%add3A_152, %dma_wait3A_153] : memref<80x128xi32, #tpu.memory_space<vmem>> -> memref<1x128xi32, #tpu.memory_space<vmem>>
        %dma_wait3A_155 = tpu.memref_squeeze %dma_wait3A_154 : memref<1x128xi32, #tpu.memory_space<vmem>> -> memref<128xi32, #tpu.memory_space<vmem>>
        %dma_wait3A_156 = arith.constant 0 : i32
        %dma_wait3A_157 = arith.constant 0 : i32
        %dma_wait3A_158 = tpu.memref_slice %arg10[%dma_wait3A_156, %dma_wait3A_157] : memref<10240x64xf32, #tpu.memory_space<vmem_shared>> -> memref<10240x64xf32, #tpu.memory_space<vmem_shared>>
        tpu.wait_indirect_dma semaphore(%arg14 : memref<!tpu.dma_semaphore, #tpu.memory_space<semaphore_mem>>) src(%arg8 : memref<128x64xf32, #tpu.memory_space<vmem>>) dst(%dma_wait3A_158 : memref<10240x64xf32, #tpu.memory_space<vmem_shared>>)
        %add3A_159 = arith.constant 0 : i32
        %add3A_160 = arith.addi %mul3A_103, %add3A_159 : i32
        %add3A_161 = arith.constant 2 : i32
        %add3A_162 = arith.addi %add3A_160, %add3A_161 : i32
        %dma_start3A_163 = arith.constant 0 : i32
        %dma_start3A_164 = tpu.memref_slice %arg6[%add3A_162, %dma_start3A_163] : memref<80x128xi32, #tpu.memory_space<vmem>> -> memref<1x128xi32, #tpu.memory_space<vmem>>
        %dma_start3A_165 = tpu.memref_squeeze %dma_start3A_164 : memref<1x128xi32, #tpu.memory_space<vmem>> -> memref<128xi32, #tpu.memory_space<vmem>>
        %dma_start3A_166 = arith.constant 0 : i32
        %dma_start3A_167 = arith.constant 0 : i32
        %dma_start3A_168 = tpu.memref_slice %arg11[%dma_start3A_166, %dma_start3A_167] : memref<10240x64xf32, #tpu.memory_space<vmem_shared>> -> memref<10240x64xf32, #tpu.memory_space<vmem_shared>>
        tpu.enqueue_indirect_dma source(%dma_start3A_168 : memref<10240x64xf32, #tpu.memory_space<vmem_shared>>) target(%arg8 : memref<128x64xf32, #tpu.memory_space<vmem>>) offsets(%dma_start3A_165 : memref<128xi32, #tpu.memory_space<vmem>>) semaphore(%arg12 : memref<!tpu.dma_semaphore, #tpu.memory_space<semaphore_mem>>)
      } else {
      }
      %add3A_142 = arith.constant 1 : i32
      %add3A_143 = arith.addi %mul3A_103, %add3A_142 : i32
      %add3A_144 = arith.constant 2 : i32
      %add3A_145 = arith.addi %add3A_143, %add3A_144 : i32
      %lt3A_146 = arith.constant 80 : i32
      %lt3A_147 = arith.cmpi slt, %add3A_145, %lt3A_146 : i32
      %convert_element_type3A_148 = arith.extui %lt3A_147 : i1 to i32
      %cond3A_149 = arith.constant 0 : i32
      %cond3A_150 = arith.cmpi ne, %convert_element_type3A_148, %cond3A_149 : i32
      scf.if %cond3A_150 {
        %add3A_151 = arith.constant 1 : i32
        %add3A_152 = arith.addi %mul3A_103, %add3A_151 : i32
        %dma_wait3A_153 = arith.constant 0 : i32
        %dma_wait3A_154 = tpu.memref_slice %arg7[%add3A_152, %dma_wait3A_153] : memref<80x128xi32, #tpu.memory_space<vmem>> -> memref<1x128xi32, #tpu.memory_space<vmem>>
        %dma_wait3A_155 = tpu.memref_squeeze %dma_wait3A_154 : memref<1x128xi32, #tpu.memory_space<vmem>> -> memref<128xi32, #tpu.memory_space<vmem>>
        %dma_wait3A_156 = arith.constant 0 : i32
        %dma_wait3A_157 = arith.constant 0 : i32
        %dma_wait3A_158 = tpu.memref_slice %arg10[%dma_wait3A_156, %dma_wait3A_157] : memref<10240x64xf32, #tpu.memory_space<vmem_shared>> -> memref<10240x64xf32, #tpu.memory_space<vmem_shared>>
        tpu.wait_indirect_dma semaphore(%arg15 : memref<!tpu.dma_semaphore, #tpu.memory_space<semaphore_mem>>) src(%arg9 : memref<128x64xf32, #tpu.memory_space<vmem>>) dst(%dma_wait3A_158 : memref<10240x64xf32, #tpu.memory_space<vmem_shared>>)
        %add3A_159 = arith.constant 1 : i32
        %add3A_160 = arith.addi %mul3A_103, %add3A_159 : i32
        %add3A_161 = arith.constant 2 : i32
        %add3A_162 = arith.addi %add3A_160, %add3A_161 : i32
        %dma_start3A_163 = arith.constant 0 : i32
        %dma_start3A_164 = tpu.memref_slice %arg6[%add3A_162, %dma_start3A_163] : memref<80x128xi32, #tpu.memory_space<vmem>> -> memref<1x128xi32, #tpu.memory_space<vmem>>
        %dma_start3A_165 = tpu.memref_squeeze %dma_start3A_164 : memref<1x128xi32, #tpu.memory_space<vmem>> -> memref<128xi32, #tpu.memory_space<vmem>>
        %dma_start3A_166 = arith.constant 0 : i32
        %dma_start3A_167 = arith.constant 0 : i32
        %dma_start3A_168 = tpu.memref_slice %arg11[%dma_start3A_166, %dma_start3A_167] : memref<10240x64xf32, #tpu.memory_space<vmem_shared>> -> memref<10240x64xf32, #tpu.memory_space<vmem_shared>>
        tpu.enqueue_indirect_dma source(%dma_start3A_168 : memref<10240x64xf32, #tpu.memory_space<vmem_shared>>) target(%arg9 : memref<128x64xf32, #tpu.memory_space<vmem>>) offsets(%dma_start3A_165 : memref<128xi32, #tpu.memory_space<vmem>>) semaphore(%arg13 : memref<!tpu.dma_semaphore, #tpu.memory_space<semaphore_mem>>)
      } else {
      }
    }
    %scan3A_82 = arith.constant 40 : i32
    %dma_wait3A = arith.constant 78 : i32
    %dma_wait3A_83 = arith.constant 0 : i32
    %dma_wait3A_84 = tpu.memref_slice %arg7[%dma_wait3A, %dma_wait3A_83] : memref<80x128xi32, #tpu.memory_space<vmem>> -> memref<1x128xi32, #tpu.memory_space<vmem>>
    %dma_wait3A_85 = tpu.memref_squeeze %dma_wait3A_84 : memref<1x128xi32, #tpu.memory_space<vmem>> -> memref<128xi32, #tpu.memory_space<vmem>>
    %dma_wait3A_86 = arith.constant 0 : i32
    %dma_wait3A_87 = arith.constant 0 : i32
    %dma_wait3A_88 = tpu.memref_slice %arg10[%dma_wait3A_86, %dma_wait3A_87] : memref<10240x64xf32, #tpu.memory_space<vmem_shared>> -> memref<10240x64xf32, #tpu.memory_space<vmem_shared>>
    tpu.wait_indirect_dma semaphore(%arg14 : memref<!tpu.dma_semaphore, #tpu.memory_space<semaphore_mem>>) src(%arg8 : memref<128x64xf32, #tpu.memory_space<vmem>>) dst(%dma_wait3A_88 : memref<10240x64xf32, #tpu.memory_space<vmem_shared>>)
    %dma_wait3A_89 = arith.constant 79 : i32
    %dma_wait3A_90 = arith.constant 0 : i32
    %dma_wait3A_91 = tpu.memref_slice %arg7[%dma_wait3A_89, %dma_wait3A_90] : memref<80x128xi32, #tpu.memory_space<vmem>> -> memref<1x128xi32, #tpu.memory_space<vmem>>
    %dma_wait3A_92 = tpu.memref_squeeze %dma_wait3A_91 : memref<1x128xi32, #tpu.memory_space<vmem>> -> memref<128xi32, #tpu.memory_space<vmem>>
    %dma_wait3A_93 = arith.constant 0 : i32
    %dma_wait3A_94 = arith.constant 0 : i32
    %dma_wait3A_95 = tpu.memref_slice %arg10[%dma_wait3A_93, %dma_wait3A_94] : memref<10240x64xf32, #tpu.memory_space<vmem_shared>> -> memref<10240x64xf32, #tpu.memory_space<vmem_shared>>
    tpu.wait_indirect_dma semaphore(%arg15 : memref<!tpu.dma_semaphore, #tpu.memory_space<semaphore_mem>>) src(%arg9 : memref<128x64xf32, #tpu.memory_space<vmem>>) dst(%dma_wait3A_95 : memref<10240x64xf32, #tpu.memory_space<vmem_shared>>)
    %barrier3A_96 = arith.constant 0 : index
    tpu.barrier barrier_id(%barrier3A_96)
    %mul3A_97 = arith.constant 640 : i32
    %mul3A_98 = arith.muli %arg1, %mul3A_97 : i32
    %mul3A_99 = arith.constant 640 : i32
    %mul3A_100 = arith.muli %arg1, %mul3A_99 : i32
    "tpu.region"() ({
      %run_scoped3A = tpu.sem_alloc : memref<!tpu.dma_semaphore, #tpu.memory_space<semaphore_mem>>
      %dma_start3A_101 = arith.constant 0 : i32
      %dma_start3A_102 = tpu.memref_slice %arg5[%arg0, %mul3A_100, %dma_start3A_101] : memref<2x10240x64xf32, #tpu.memory_space<hbm>> -> memref<1x640x64xf32, #tpu.memory_space<hbm>>
      %dma_start3A_103 = tpu.memref_squeeze %dma_start3A_102 : memref<1x640x64xf32, #tpu.memory_space<hbm>> -> memref<640x64xf32, #tpu.memory_space<hbm>>
      %dma_start3A_104 = arith.constant 0 : i32
      %dma_start3A_105 = tpu.memref_slice %arg10[%mul3A_98, %dma_start3A_104] : memref<10240x64xf32, #tpu.memory_space<vmem_shared>> -> memref<640x64xf32, #tpu.memory_space<vmem_shared>>
      tpu.enqueue_dma source(%dma_start3A_105 : memref<640x64xf32, #tpu.memory_space<vmem_shared>>) target(%dma_start3A_103 : memref<640x64xf32, #tpu.memory_space<hbm>>) target_semaphore(%run_scoped3A : memref<!tpu.dma_semaphore, #tpu.memory_space<semaphore_mem>>)
      %dma_wait3A_106 = arith.constant 0 : i32
      %dma_wait3A_107 = tpu.memref_slice %arg5[%arg0, %mul3A_100, %dma_wait3A_106] : memref<2x10240x64xf32, #tpu.memory_space<hbm>> -> memref<1x640x64xf32, #tpu.memory_space<hbm>>
      %dma_wait3A_108 = tpu.memref_squeeze %dma_wait3A_107 : memref<1x640x64xf32, #tpu.memory_space<hbm>> -> memref<640x64xf32, #tpu.memory_space<hbm>>
      %dma_wait3A_109 = arith.constant 0 : i32
      %dma_wait3A_110 = tpu.memref_slice %arg10[%mul3A_98, %dma_wait3A_109] : memref<10240x64xf32, #tpu.memory_space<vmem_shared>> -> memref<640x64xf32, #tpu.memory_space<vmem_shared>>
      tpu.wait_dma2 semaphore(%run_scoped3A : memref<!tpu.dma_semaphore, #tpu.memory_space<semaphore_mem>>) src(%dma_wait3A_110 : memref<640x64xf32, #tpu.memory_space<vmem_shared>>) dst(%dma_wait3A_108 : memref<640x64xf32, #tpu.memory_space<hbm>>)
      tpu.yield
    }) : () -> ()
    return
  }
}

module attributes {stable_mosaic.version = 14 : i64} {
  func.func @_dense1_body(%arg0: memref<10000x128xf32, #tpu.memory_space<vmem>>, %arg1: memref<128x64xf32, #tpu.memory_space<vmem>>, %arg2: memref<2x10240x16xf32, #tpu.memory_space<vmem>>, %arg3: memref<10240x64xf32, #tpu.memory_space<vmem>>, %arg4: memref<10240x1xf32, #tpu.memory_space<vmem>>) attributes {dimension_semantics = [], scalar_prefetch = 0 : i64, scratch_operands = 0 : i64, tpu.core_type = #tpu.core_type<tc>} {
    %get3A = arith.constant 0 : index
    %get3A_0 = arith.constant 0 : index
    %get3A_1 = arith.constant 0 : index
    %get3A_2 = vector.load %arg2[%get3A, %get3A_0, %get3A_1] : memref<2x10240x16xf32, #tpu.memory_space<vmem>>, vector<1x10240x1xf32>
    %get3A_3 = vector.shape_cast %get3A_2 : vector<1x10240x1xf32> to vector<10240x1xf32>
    %get3A_4 = arith.constant 1 : index
    %get3A_5 = arith.constant 0 : index
    %get3A_6 = arith.constant 0 : index
    %get3A_7 = vector.load %arg2[%get3A_4, %get3A_5, %get3A_6] : memref<2x10240x16xf32, #tpu.memory_space<vmem>>, vector<1x10240x1xf32>
    %get3A_8 = vector.shape_cast %get3A_7 : vector<1x10240x1xf32> to vector<10240x1xf32>
    %add3A = arith.addf %get3A_3, %get3A_8 : vector<10240x1xf32>
    %add3A_9 = arith.constant 1.000000e+00 : f32
    %add3A_10 = vector.broadcast %add3A_9 : f32 to vector<10240x1xf32>
    %add3A_11 = arith.addf %add3A, %add3A_10 : vector<10240x1xf32>
    %rsqrt3A = math.rsqrt %add3A_11 : vector<10240x1xf32>
    %get3A_12 = arith.constant 0 : index
    %get3A_13 = arith.constant 0 : index
    %get3A_14 = vector.load %arg0[%get3A_12, %get3A_13] : memref<10000x128xf32, #tpu.memory_space<vmem>>, vector<10000x128xf32>
    %get3A_15 = arith.constant 0 : index
    %get3A_16 = arith.constant 0 : index
    %get3A_17 = vector.load %arg1[%get3A_15, %get3A_16] : memref<128x64xf32, #tpu.memory_space<vmem>>, vector<128x64xf32>
    %dot_general3A = arith.constant dense<0.000000e+00> : vector<10000x64xf32>
    %dot_general3A_18 = tpu.matmul %get3A_14, %get3A_17, %dot_general3A {dimension_numbers = #tpu.dot_dimension_numbers<[1], [0], [0], [1], [0, 0, 1, 1], [], []>, transpose_lhs_hint = false} : vector<10000x128xf32>, vector<128x64xf32>, vector<10000x64xf32> -> vector<10000x64xf32>
    %slice3A = vector.extract_strided_slice %rsqrt3A {offsets = [0, 0], sizes = [10000, 1], strides = [1, 1]} : vector<10240x1xf32> to vector<10000x1xf32>
    %mul3A = vector.broadcast %slice3A : vector<10000x1xf32> to vector<10000x64xf32>
    %mul3A_19 = arith.mulf %dot_general3A_18, %mul3A : vector<10000x64xf32>
    %broadcast_in_dim3A = arith.constant 0.000000e+00 : f32
    %broadcast_in_dim3A_20 = vector.broadcast %broadcast_in_dim3A : f32 to vector<240x64xf32>
    %concatenate3A = tpu.concatenate %mul3A_19, %broadcast_in_dim3A_20 in 0 : vector<10000x64xf32>, vector<240x64xf32> -> vector<10240x64xf32>
    %swap3A = arith.constant 0 : index
    %swap3A_21 = arith.constant 0 : index
    %swap3A_22 = vector.load %arg3[%swap3A, %swap3A_21] : memref<10240x64xf32, #tpu.memory_space<vmem>>, vector<10240x64xf32>
    tpu.vector_store %arg3[%swap3A, %swap3A_21], %concatenate3A {strides = array<i32>} : memref<10240x64xf32, #tpu.memory_space<vmem>>, vector<10240x64xf32>,
    %swap3A_23 = arith.constant 0 : index
    %swap3A_24 = arith.constant 0 : index
    %swap3A_25 = vector.load %arg4[%swap3A_23, %swap3A_24] : memref<10240x1xf32, #tpu.memory_space<vmem>>, vector<10240x1xf32>
    tpu.vector_store %arg4[%swap3A_23, %swap3A_24], %rsqrt3A {strides = array<i32>} : memref<10240x1xf32, #tpu.memory_space<vmem>>, vector<10240x1xf32>,
    return
  }
}

module attributes {stable_mosaic.version = 14 : i64} {
  func.func @_dense2_body(%arg0: memref<2x10240x64xf32, #tpu.memory_space<vmem>>, %arg1: memref<10240x64xf32, #tpu.memory_space<vmem>>, %arg2: memref<10240x1xf32, #tpu.memory_space<vmem>>, %arg3: memref<1x64xf32, #tpu.memory_space<vmem>>, %arg4: memref<64x64xf32, #tpu.memory_space<vmem>>, %arg5: memref<10240x64xf32, #tpu.memory_space<vmem>>) attributes {dimension_semantics = [], scalar_prefetch = 0 : i64, scratch_operands = 0 : i64, tpu.core_type = #tpu.core_type<tc>} {
    %get3A = arith.constant 0 : index
    %get3A_0 = arith.constant 0 : index
    %get3A_1 = arith.constant 0 : index
    %get3A_2 = vector.load %arg0[%get3A, %get3A_0, %get3A_1] : memref<2x10240x64xf32, #tpu.memory_space<vmem>>, vector<1x10240x64xf32>
    %get3A_3 = vector.shape_cast %get3A_2 : vector<1x10240x64xf32> to vector<10240x64xf32>
    %get3A_4 = arith.constant 1 : index
    %get3A_5 = arith.constant 0 : index
    %get3A_6 = arith.constant 0 : index
    %get3A_7 = vector.load %arg0[%get3A_4, %get3A_5, %get3A_6] : memref<2x10240x64xf32, #tpu.memory_space<vmem>>, vector<1x10240x64xf32>
    %get3A_8 = vector.shape_cast %get3A_7 : vector<1x10240x64xf32> to vector<10240x64xf32>
    %add3A = arith.addf %get3A_3, %get3A_8 : vector<10240x64xf32>
    %get3A_9 = arith.constant 0 : index
    %get3A_10 = arith.constant 0 : index
    %get3A_11 = vector.load %arg1[%get3A_9, %get3A_10] : memref<10240x64xf32, #tpu.memory_space<vmem>>, vector<10240x64xf32>
    %sub3A = arith.subf %add3A, %get3A_11 : vector<10240x64xf32>
    %get3A_12 = arith.constant 0 : index
    %get3A_13 = arith.constant 0 : index
    %get3A_14 = vector.load %arg2[%get3A_12, %get3A_13] : memref<10240x1xf32, #tpu.memory_space<vmem>>, vector<10240x1xf32>
    %mul3A = vector.broadcast %get3A_14 : vector<10240x1xf32> to vector<10240x64xf32>
    %mul3A_15 = arith.mulf %sub3A, %mul3A : vector<10240x64xf32>
    %get3A_16 = arith.constant 0 : index
    %get3A_17 = arith.constant 0 : index
    %get3A_18 = vector.load %arg3[%get3A_16, %get3A_17] : memref<1x64xf32, #tpu.memory_space<vmem>>, vector<1x64xf32>
    %add3A_19 = vector.broadcast %get3A_18 : vector<1x64xf32> to vector<10240x64xf32>
    %add3A_20 = arith.addf %mul3A_15, %add3A_19 : vector<10240x64xf32>
    %max3A = arith.constant 0.000000e+00 : f32
    %max3A_21 = vector.broadcast %max3A : f32 to vector<10240x64xf32>
    %max3A_22 = arith.maximumf %add3A_20, %max3A_21 : vector<10240x64xf32>
    %get3A_23 = arith.constant 0 : index
    %get3A_24 = arith.constant 0 : index
    %get3A_25 = vector.load %arg4[%get3A_23, %get3A_24] : memref<64x64xf32, #tpu.memory_space<vmem>>, vector<64x64xf32>
    %dot_general3A = arith.constant dense<0.000000e+00> : vector<10240x64xf32>
    %dot_general3A_26 = tpu.matmul %max3A_22, %get3A_25, %dot_general3A {dimension_numbers = #tpu.dot_dimension_numbers<[1], [0], [0], [1], [0, 0, 1, 1], [], []>, transpose_lhs_hint = false} : vector<10240x64xf32>, vector<64x64xf32>, vector<10240x64xf32> -> vector<10240x64xf32>
    %get3A_27 = arith.constant 0 : index
    %get3A_28 = arith.constant 0 : index
    %get3A_29 = vector.load %arg2[%get3A_27, %get3A_28] : memref<10240x1xf32, #tpu.memory_space<vmem>>, vector<10240x1xf32>
    %mul3A_30 = vector.broadcast %get3A_29 : vector<10240x1xf32> to vector<10240x64xf32>
    %mul3A_31 = arith.mulf %dot_general3A_26, %mul3A_30 : vector<10240x64xf32>
    %swap3A = arith.constant 0 : index
    %swap3A_32 = arith.constant 0 : index
    %swap3A_33 = vector.load %arg5[%swap3A, %swap3A_32] : memref<10240x64xf32, #tpu.memory_space<vmem>>, vector<10240x64xf32>
    tpu.vector_store %arg5[%swap3A, %swap3A_32], %mul3A_31 {strides = array<i32>} : memref<10240x64xf32, #tpu.memory_space<vmem>>, vector<10240x64xf32>,
    return
  }
}

module attributes {stable_mosaic.version = 14 : i64} {
  func.func @_dense3_body(%arg0: memref<2x10240x64xf32, #tpu.memory_space<vmem>>, %arg1: memref<10240x64xf32, #tpu.memory_space<vmem>>, %arg2: memref<10240x1xf32, #tpu.memory_space<vmem>>, %arg3: memref<1x64xf32, #tpu.memory_space<vmem>>, %arg4: memref<64x1xf32, #tpu.memory_space<vmem>>, %arg5: memref<1x1xf32, #tpu.memory_space<vmem>>, %arg6: memref<10000x1xf32, #tpu.memory_space<vmem>>) attributes {dimension_semantics = [], scalar_prefetch = 0 : i64, scratch_operands = 0 : i64, tpu.core_type = #tpu.core_type<tc>} {
    %get3A = arith.constant 0 : index
    %get3A_0 = arith.constant 0 : index
    %get3A_1 = arith.constant 0 : index
    %get3A_2 = vector.load %arg0[%get3A, %get3A_0, %get3A_1] : memref<2x10240x64xf32, #tpu.memory_space<vmem>>, vector<1x10240x64xf32>
    %get3A_3 = vector.shape_cast %get3A_2 : vector<1x10240x64xf32> to vector<10240x64xf32>
    %get3A_4 = arith.constant 1 : index
    %get3A_5 = arith.constant 0 : index
    %get3A_6 = arith.constant 0 : index
    %get3A_7 = vector.load %arg0[%get3A_4, %get3A_5, %get3A_6] : memref<2x10240x64xf32, #tpu.memory_space<vmem>>, vector<1x10240x64xf32>
    %get3A_8 = vector.shape_cast %get3A_7 : vector<1x10240x64xf32> to vector<10240x64xf32>
    %add3A = arith.addf %get3A_3, %get3A_8 : vector<10240x64xf32>
    %get3A_9 = arith.constant 0 : index
    %get3A_10 = arith.constant 0 : index
    %get3A_11 = vector.load %arg1[%get3A_9, %get3A_10] : memref<10240x64xf32, #tpu.memory_space<vmem>>, vector<10240x64xf32>
    %sub3A = arith.subf %add3A, %get3A_11 : vector<10240x64xf32>
    %get3A_12 = arith.constant 0 : index
    %get3A_13 = arith.constant 0 : index
    %get3A_14 = vector.load %arg2[%get3A_12, %get3A_13] : memref<10240x1xf32, #tpu.memory_space<vmem>>, vector<10240x1xf32>
    %mul3A = vector.broadcast %get3A_14 : vector<10240x1xf32> to vector<10240x64xf32>
    %mul3A_15 = arith.mulf %sub3A, %mul3A : vector<10240x64xf32>
    %get3A_16 = arith.constant 0 : index
    %get3A_17 = arith.constant 0 : index
    %get3A_18 = vector.load %arg3[%get3A_16, %get3A_17] : memref<1x64xf32, #tpu.memory_space<vmem>>, vector<1x64xf32>
    %add3A_19 = vector.broadcast %get3A_18 : vector<1x64xf32> to vector<10240x64xf32>
    %add3A_20 = arith.addf %mul3A_15, %add3A_19 : vector<10240x64xf32>
    %max3A = arith.constant 0.000000e+00 : f32
    %max3A_21 = vector.broadcast %max3A : f32 to vector<10240x64xf32>
    %max3A_22 = arith.maximumf %add3A_20, %max3A_21 : vector<10240x64xf32>
    %get3A_23 = arith.constant 0 : index
    %get3A_24 = arith.constant 0 : index
    %get3A_25 = vector.load %arg4[%get3A_23, %get3A_24] : memref<64x1xf32, #tpu.memory_space<vmem>>, vector<64x1xf32>
    %dot_general3A = arith.constant dense<0.000000e+00> : vector<10240x1xf32>
    %dot_general3A_26 = tpu.matmul %max3A_22, %get3A_25, %dot_general3A {dimension_numbers = #tpu.dot_dimension_numbers<[1], [0], [0], [1], [0, 0, 1, 1], [], []>, transpose_lhs_hint = false} : vector<10240x64xf32>, vector<64x1xf32>, vector<10240x1xf32> -> vector<10240x1xf32>
    %get3A_27 = arith.constant 0 : index
    %get3A_28 = arith.constant 0 : index
    %get3A_29 = vector.load %arg5[%get3A_27, %get3A_28] : memref<1x1xf32, #tpu.memory_space<vmem>>, vector<1x1xf32>
    %add3A_30 = vector.broadcast %get3A_29 : vector<1x1xf32> to vector<10240x1xf32>
    %add3A_31 = arith.addf %dot_general3A_26, %add3A_30 : vector<10240x1xf32>
    %slice3A = vector.extract_strided_slice %add3A_31 {offsets = [0, 0], sizes = [10000, 1], strides = [1, 1]} : vector<10240x1xf32> to vector<10000x1xf32>
    %neg3A = arith.constant 0.000000e+00 : f32
    %neg3A_32 = vector.broadcast %neg3A : f32 to vector<10000x1xf32>
    %neg3A_33 = arith.subf %neg3A_32, %slice3A : vector<10000x1xf32>
    %exp3A = math.exp %neg3A_33 : vector<10000x1xf32>
    %add3A_34 = arith.constant 1.000000e+00 : f32
    %add3A_35 = vector.broadcast %add3A_34 : f32 to vector<10000x1xf32>
    %add3A_36 = arith.addf %add3A_35, %exp3A : vector<10000x1xf32>
    %div3A = arith.constant 1.000000e+00 : f32
    %div3A_37 = vector.broadcast %div3A : f32 to vector<10000x1xf32>
    %div3A_38 = arith.divf %div3A_37, %add3A_36 : vector<10000x1xf32>
    %swap3A = arith.constant 0 : index
    %swap3A_39 = arith.constant 0 : index
    %swap3A_40 = vector.load %arg6[%swap3A, %swap3A_39] : memref<10000x1xf32, #tpu.memory_space<vmem>>, vector<10000x1xf32>
    tpu.vector_store %arg6[%swap3A, %swap3A_39], %div3A_38 {strides = array<i32>} : memref<10000x1xf32, #tpu.memory_space<vmem>>, vector<10000x1xf32>,
    return
  }
}

</mosaic_0001>

<sc_bundles>
// kernel: kernel.11.cloned.1.call-start
scs
__scs_entry_jumppad:
0x0: {  	(pc) =	sbr.rel $0x88, $3  }
0x1: {  	(tag) =	ssettag $0x0;
	lr =	simm.s32 $0x1  }
0x2: {  	[smem:$0x3F99] =	sst lr;
	_ =	strace $0xD0000000  }
0x3: {  	_ = 	snop  }
0x4: {  	_ = 	snop  }
0x5: {  	_ = 	snop  }
0x6: {  	_ = 	snop  }
0x7: {  	_ = 	snop  }
__scs_overlays_trampoline_lowered:
0x8: {  	[smem:$0x3FA8] =	sst s0  }
0x9: {  	[smem:$0x3FA9] =	sst s1  }
0xa: {  	[smem:$0x3FAA] =	sst s2  }
0xb: {  	[smem:$0x3FAB] =	sst s3  }
0xc: {  	[smem:$0x3FAC] =	sst s4  }
0xd: {  	[smem:$0x3FAD] =	sst s5  }
0xe: {  	[smem:$0x3FAE] =	sst s6  }
0xf: {  	[smem:$0x3FAF] =	sst s7  }
0x10: {  	[smem:$0x3FB0] =	sst s8  }
0x11: {  	[smem:$0x3FB1] =	sst s9;
	s0 =	simm.s32 @!p0 $0x0  }
0x12: {  	s1 =	sld [smem:$0x3F97];
	s0 =	simm.s32 @p0 $0x1  }
0x13: {  	[smem:$0x3FB2] =	sst s0;
	s0 =	simm.s32 @!p1 $0x0  }
0x14: {  	s2 =	sld [smem:$0x3F96];
	s0 =	simm.s32 @p1 $0x1  }
0x15: {  	[smem:$0x3FB3] =	sst s0;
	s0 =	simm.s32 @!p2 $0x0  }
0x16: {  	s3 =	sld [smem:$0x3FDB];
	s0 =	simm.s32 @p2 $0x1  }
0x17: {  	s4 =	simm.s32 $0x1BF5;
	[smem:$0x3FB5] =	sst s0  }
0x18: {  	s0 =	sld [smem:$0x3F98];
	_ =	swait.ge [sflag:s4], $0x0  }
0x19: {  	s7 =	sld [smem:$0x3F99]  }
0x1a: {  	s8 =	sadd.s32 $0xFFFFE003, lr  }
0x1b: {  	s9 =	sadd.s32 $0xFFFFFEF7, lr;
	s5 =	simm.s32 $0xFFFFFFFF;
	p2 =	slt.u32 s8, $0xFFFFF086  }
0x1c: {  	p1 =	slt.u32 s9, $0xF7A;
	s5 =	simm.s32 @!p2 $0x0  }
0x1d: {  	s5 =	simm.s32 @p1 $0x1;
	p0 =	seq.s32 s7, s2  }
0x1e: {  	s7 =	smul.u32 @!p0 $0xF7A, s2;
	p2 =	seq.s32 @!p0 s5, $0x0  }
0x1f: {  	s9 =	smul.u32 $0xF7A, s1;
	s8 =	simm.s32 @!p0 $0x1BF5;
	p2 =	por !p2, p0  }
0x20: {  	[sflag:s8] =	ssyncset.s32 @!p0 $0xFFFFF086;
	s6 =	sadd.s32 @!p0 s3, s7;
	s7 =	simm.s32 @!p0 $0x108  }
0x21: {  	s3 =	sadd.s32 s3, s9;
	s6 =	sadd.s32 @!p0 $0x88, s6;
	s7 =	simm.s32 @p2 $0x1082  }
0x22: {  	[simem:s7], [sflag:s8] =	dma.local @!p0 [hbm:s6], $0xF7A  }
0x23: {  	s9 =	sor.u32 $0xD0000000, s2;
	s6 =	simm.s32 $0x108;
	_ =	swait.ge @!p0 [sflag:s8], $0x0  }
0x24: {  	s3 =	sadd.s32 $0x88, s3;
	s6 =	simm.s32 @!p1 $0x1082;
	[sflag:s4] =	ssyncset.s32 $0xFFFFF086  }
0x25: {  	[simem:s6], [sflag:s4] =	dma.local [hbm:s3], $0xF7A  }
0x26: {  	[smem:$0x3F99] =	sst s1;
	(tag) =	ssettag s2;
	_ =	strace s9  }
0x27: {  	s1 =	sld [smem:$0x3FA9]  }
0x28: {  	s2 =	sld [smem:$0x3FAA]  }
0x29: {  	s4 =	sld [smem:$0x3FAC]  }
0x2a: {  	p0 =	seq.s32 s5, $0x0;
	s5 =	sld [smem:$0x3FAD]  }
0x2b: {  	s6 =	sld [smem:$0x3FAE]  }
0x2c: {  	s7 =	sld [smem:$0x3FAF]  }
0x2d: {  	s3 =	simm.s32 $0x108;
	s8 =	sld [smem:$0x3FB0]  }
0x2e: {  	s3 =	simm.s32 @!p0 $0x1082;
	s9 =	sld [smem:$0x3FB1]  }
0x2f: {  	lr =	sadd.s32 s0, s3;
	s0 =	sld [smem:$0x3FA8]  }
0x30: {  	s3 =	sld [smem:$0x3FAB]  }
0x31: {  	[smem:$0x3FB4] =	sst s10  }
0x32: {  	s10 =	sld [smem:$0x3FB2];
	_ =	sdelay $0x3  }
0x33: {  	p0 =	seq.s32 s10, $0x1;
	s10 =	sld [smem:$0x3FB4];
	_ =	sdelay $0x3  }
0x34: {  	[smem:$0x3FB4] =	sst s10  }
0x35: {  	s10 =	sld [smem:$0x3FB3];
	_ =	sdelay $0x3  }
0x36: {  	p1 =	seq.s32 s10, $0x1;
	s10 =	sld [smem:$0x3FB4];
	_ =	sdelay $0x3  }
0x37: {  	[smem:$0x3FB4] =	sst s10  }
0x38: {  	s10 =	sld [smem:$0x3FB5]  }
0x39: {  	_ = 	snop;
	(pc) =	sbr.ind lr, $3  }
0x3a: {  	_ = 	snop  }
0x3b: {  	_ = 	snop  }
0x3c: {  	p2 =	seq.s32 s10, $0x1;
	s10 =	sld [smem:$0x3FB4]  }
0x3d: {  	_ =	shalt  }
0x3e: {  	_ =	shalt  }
0x3f: {  	_ =	shalt  }
0x40: {  	_ =	shalt  }
0x41: {  	_ =	shalt  }
0x42: {  	_ =	shalt  }
0x43: {  	_ =	shalt  }
0x44: {  	_ =	shalt  }
0x45: {  	_ =	shalt  }
0x46: {  	_ =	shalt  }
0x47: {  	_ =	shalt  }
0x48: {  	_ =	shalt  }
0x49: {  	_ =	shalt  }
0x4a: {  	_ =	shalt  }
0x4b: {  	_ =	shalt  }
0x4c: {  	_ =	shalt  }
0x4d: {  	_ =	shalt  }
0x4e: {  	_ =	shalt  }
0x4f: {  	_ =	shalt  }
0x50: {  	_ =	shalt  }
0x51: {  	_ =	shalt  }
0x52: {  	_ =	shalt  }
0x53: {  	_ =	shalt  }
0x54: {  	_ =	shalt  }
0x55: {  	_ =	shalt  }
0x56: {  	_ =	shalt  }
0x57: {  	_ =	shalt  }
0x58: {  	_ =	shalt  }
0x59: {  	_ =	shalt  }
0x5a: {  	_ =	shalt  }
0x5b: {  	_ =	shalt  }
0x5c: {  	_ =	shalt  }
0x5d: {  	_ =	shalt  }
0x5e: {  	_ =	shalt  }
0x5f: {  	_ =	shalt  }
0x60: {  	_ =	shalt  }
0x61: {  	_ =	shalt  }
0x62: {  	_ =	shalt  }
0x63: {  	_ =	shalt  }
0x64: {  	_ =	shalt  }
0x65: {  	_ =	shalt  }
0x66: {  	_ =	shalt  }
0x67: {  	_ =	shalt  }
0x68: {  	_ =	shalt  }
0x69: {  	_ =	shalt  }
0x6a: {  	_ =	shalt  }
0x6b: {  	_ =	shalt  }
0x6c: {  	_ =	shalt  }
0x6d: {  	_ =	shalt  }
0x6e: {  	_ =	shalt  }
0x6f: {  	_ =	shalt  }
0x70: {  	_ =	shalt  }
0x71: {  	_ =	shalt  }
0x72: {  	_ =	shalt  }
0x73: {  	_ =	shalt  }
0x74: {  	_ =	shalt  }
0x75: {  	_ =	shalt  }
0x76: {  	_ =	shalt  }
0x77: {  	_ =	shalt  }
0x78: {  	_ =	shalt  }
0x79: {  	_ =	shalt  }
0x7a: {  	_ =	shalt  }
0x7b: {  	_ =	shalt  }
0x7c: {  	_ =	shalt  }
0x7d: {  	_ =	shalt  }
0x7e: {  	_ =	shalt  }
0x7f: {  	_ =	shalt  }
0x80: {  	_ =	shalt  }
0x81: {  	_ =	shalt  }
0x82: {  	_ =	shalt  }
0x83: {  	_ =	shalt  }
0x84: {  	_ =	shalt  }
0x85: {  	_ =	shalt  }
0x86: {  	_ =	shalt  }
0x87: {  	_ =	shalt  }
.Lfunc_end0:
.L_simem_size_0:
called_computation.1_lowered:
.L_overlay_start_0:
0x88: {  	s2 =	sld [smem:$0x3FD9]  }
0x89: {  	s3 =	sld [smem:$0x3FFE];
	_ =	sdelay $0x1  }
0x8a: {  	s1 =	srdreg.scid  }
0x8b: {  	s0 =	sand.u32 $0x1, s1  }
0x8c: {  	s16 =	sshll.u32 s0, $0xA;
	s2 =	sadd.s32 s3, s2  }
0x8d: {  	s2 =	sadd.s32 s2, s16  }
0x8e: {  	[smem:$0x3FC0] =	sst s2  }
0x8f: {  	_ = 	snop  }
0x90: {  	(tm) =	ssettm $0x1  }
0x91: {  	s17 =	sld [smem:$0x3FFB];
	_ =	sdelay $0x3  }
0x92: {  	_ =	strace s17  }
0x93: {  	s2 =	sld [smem:$0x3FFC];
	_ =	sdelay $0x3  }
0x94: {  	_ =	strace s2  }
0x95: {  	s2 =	sld [smem:$0x3FFD];
	_ =	sdelay $0x3  }
0x96: {  	_ =	strace s2  }
0x97: {  	_ =	strace $0x8FFFFFFF  }
0x98: {  	s18 =	sld [smem:$0x3FDB];
	_ =	sdelay $0x1  }
0x99: {  	s19 =	simm.s32 $_scs_section_size  }
0x9a: {  	s4 =	simm.s32 $_size__tile_overlayer_lowered;
	s5 =	simm.s32 $_tile_overlayer_lowered  }
0x9b: {  	s22 =	simm.s32 $0x1BFF;
	s21 =	sshll.u32 s5, $0x1;
	s2 =	sadd.s32 s19, s18  }
0x9c: {  	s6 =	simm.s32 $0x0;
	s20 =	sshll.u32 s4, $0x1;
	s4 =	sadd.s32 s21, s2  }
0x9d: {  	[timem:s6], [sflag:s22] =	dma.local [hbm:s4], s20  }
0x9e: {  	_ =	swait.ge [sflag:s22], s20  }
0x9f: {  	s3 =	ssub.s32 $0x0, s20;
	[sflag:s22] =	ssyncset.done $0x0  }
0xa0: {  	[sflag:s22] =	ssyncadd.s32 s3;
	_ =	sdelay $0x1  }
0xa1: {  	s23 =	simm.s32 $0x1B8B  }
0xa2: {  	_ =	swait.ge [sflag:s23], $0x1  }
0xa3: {  	[sflag:s23] =	ssyncset.done $0x0  }
0xa4: {  	s25 =	simm.s32 $0x1B8E;
	s24 =	sld [smem:$0x3FFE];
	[sflag:s23] =	ssyncadd.s32 $0xFFFFFFFF  }
0xa5: {  	s26 =	simm.s32 $execute0_lowered;
	[smem:$0x3FD2] =	sst s25  }
0xa6: {  	s4 =	sshll.u32 s26, $0x1;
	_ =	strace $0x80000049;
	[dreg:$0x1] =	wrdreg $0xFFFFFFFF  }
0xa7: {  	s28 =	simm.s32 $_size_execute0_lowered;
	s2 =	sadd.s32 s2, s4;
	[dreg:$0x0] =	wrdreg $0x0  }
0xa8: {  	s4 =	sshll.u32 s28, $0x1;
	[dreg:$0x2] =	wrdreg s2  }
0xa9: {  	[dreg:$0x3] =	wrdreg s4  }
0xaa: {  	[dreg:$0x4] =	wrdreg $0xC0  }
0xab: {  	_ =	task [dreg:s6], $0x5FFFF  }
0xac: {  	[dreg:$0x1] =	wrdreg $0xFFFFFFFF  }
0xad: {  	[dreg:$0x0] =	wrdreg $0x60  }
0xae: {  	[dreg:$0x2] =	wrdreg s24  }
0xaf: {  	[dreg:$0x3] =	wrdreg $0x90000  }
0xb0: {  	[dreg:$0x4] =	wrdreg $0x130000  }
0xb1: {  	[dreg:$0x5] =	wrdreg $0x9  }
0xb2: {  	_ =	task.clear_ibuf [dreg:s6], $0x6FFFF;
	_ =	strace $0x90000049  }
0xb3: {  	s29 =	simm.s32 $0x9;
	_ =	strace $0x8000004B  }
0xb4: {  	_ =	swait.ge [sflag:s29], $0x1  }
0xb5: {  	[sflag:s29] =	ssyncadd.s32 $0xFFFFFFFF  }
0xb6: {  	_ =	strace $0x9000004B  }
0xb7: {  	_ =	sfence  }
0xb8: {  	s30 =	sld [smem:$0x0];
	_ =	sdelay $0x2  }
0xb9: {  	s31 =	sshll.u32 s1, $0xD;
	s1 =	sshrl.u32 s1, $0x2  }
0xba: {  	s3 =	sand.u32 $0x4000, s31;
	s1 =	sadd.s32 s1, s30  }
0xbb: {  	s0 =	sor.u32 s3, s0;
	s1 =	sshll.u32 s1, $0x11  }
0xbc: {  	s0 =	sor.u32 s1, s0  }
0xbd: {  	s0 =	sadd.s32 $0x8F2B, s0  }
0xbe: {  	[sflag:s0] =	ssyncadd.remote.s32 $0x1  }
0xbf: {  	_ =	sfence.sel $0xFFFF  }
0xc0: {  	[dreg:$0x0] =	wrdreg $0xFFFFFFFF;
	(pc) =	sbr.abs _section_cstart, $3  }
0xc1: {  	[dreg:$0x1] =	wrdreg $0xFFFFFFFF  }
0xc2: {  	_ =	task.clear_ibuf [dreg:s6], $0x2FFFF;
	_ =	strace $0x9FFFFFFF  }
0xc3: {  	(tm) =	ssettm $0x7FFFFFFF  }
tec
execute0_lowered:
.L_overlay_start_1:
0x0: {  	(tag) =	ssettag $0x1  }
0x1: {  	s0 =	rddreg [dreg:$0x0]  }
0x2: {  	s2 =	rddreg [dreg:$0x1]  }
0x3: {  	s3 =	rddreg [dreg:$0x2]  }
0x4: {  	s1 =	srdreg.scid;
	s6 =	stileid.u32  }
0x5: {  	s4 =	simm.s32 $0x0;
	s28 =	simm.s32 $0x80;
	s29 =	simm.s32 $0x7000  }
0x6: {  	s30 =	simm.s32 $0x1;
	s31 =	simm.s32 $0x2;
	s1 =	sand.u32 $0x1, s1  }
0x7: {  	s7 =	smul.u32 $0xA000, s6;
	[smem:$0x7FF] =	sst s4;
	s17 =	sadd.s32 $0x1F800, s0  }
0x8: {  	s5 =	sshll.u32 s1, $0x4;
	s23 =	smul.u32 $0xA0000, s1;
	s1 =	ssub.s32 $0x2, s1  }
0x9: {  	_ =	strace $0x8000004A;
	s5 =	sor.u32 s6, s5;
	s8 =	sshrl.u32 s1, $0x1  }
0xa: {  	s24 =	sshrl.u32 s7, $0x3;
	s10 =	sadd.s32 $0x2000, s7;
	s25 =	sadd.s32 s7, s3  }
0xb: {  	s13 =	sadd.s32 $0x4000, s7;
	s16 =	sadd.s32 $0x6000, s7;
	s5 =	smul.u32 $0x500, s5  }
0xc: {  	s6 =	sadd.s32 s7, s23;
	s1 =	ssub.s32 s1, s8;
	[dreg:$0x5] =	wrdreg s25  }
0xd: {  	s26 =	sshrl.u32 s10, $0x3;
	s9 =	sadd.s32 s10, s2;
	s11 =	sshrl.u32 s13, $0x3  }
0xe: {  	s10 =	sadd.s32 s10, s3;
	s12 =	sadd.s32 s13, s2;
	s14 =	sshrl.u32 s16, $0x3  }
0xf: {  	s13 =	sadd.s32 s13, s3;
	s15 =	sadd.s32 s16, s2;
	s16 =	sadd.s32 s16, s3  }
0x10: {  	s25 =	simm.s32 $0x5;
	s6 =	sshrl.u32 s6, $0x3;
	s8 =	sadd.s32 s17, s26  }
0x11: {  	s11 =	sadd.s32 s17, s11;
	s14 =	sadd.s32 s17, s14;
	s23 =	smax.u32 s1, $0x1  }
0x12: {  	s1 =	simm.s32 $0x4;
	s26 =	simm.s32 $0x0;
	s5 =	sadd.s32 s5, s0  }
0x13: {  	s0 =	sadd.s32 s6, s0;
	s6 =	sadd.s32 s17, s24;
	[dreg:$0x6] =	wrdreg s8  }
0x14: {  	s24 =	simm.s32 $0x5000;
	[dreg:$0x4] =	wrdreg s6;
	s6 =	sadd.s32 s7, s2  }
0x15: {  	s7 =	sadd.s32 $0x8000, s7;
	s20 =	sadd.s32 $0x15800, s5;
	s21 =	sadd.s32 $0x1800, s5  }
0x16: {  	s22 =	sadd.s32 $0x33800, s0;
	s0 =	simm.s32 $0x3;
	s18 =	sshrl.u32 s7, $0x3  }
0x17: {  	s19 =	sadd.s32 s7, s3;
	s17 =	sadd.s32 s17, s18;
	s18 =	sadd.s32 s7, s2  }
.LBB2_1:
0x18: {  	s5 =	rddreg [dreg:$0x4]  }
0x19: {  	[tilespmem:s24], [sflag:$0x5] =	stream.linear.gather [hbm4b:s5+s4], $0x2000, $0x38;
	[tilespmem:$0x1D000] =	vst v63  }
0x1a: {  	_ =	swait.ge [sflag:s25], $0x2000  }
0x1b: {  	[sflag:s25] =	ssyncset.done $0x0  }
0x1c: {  	[sflag:s25] =	ssyncadd.s32 $0xFFFFE000  }
0x1d: {  	[spmem:s6] =	stream.linear.scatter [tilespmem:s24], [sflag:$0x5], $0x2000, $0x38;
	[tilespmem:$0x1D000] =	vst v63  }
0x1e: {  	_ =	swait.ge [sflag:s25], $0x2000  }
0x1f: {  	[sflag:s25] =	ssyncset.done $0x0  }
0x20: {  	s7 =	rddreg [dreg:$0x5];
	[sflag:s25] =	ssyncadd.s32 $0xFFFFE000  }
0x21: {  	[spmem:s7] =	stream.linear.scatter [tilespmem:s24], [sflag:$0x5], $0x2000, $0x38;
	[tilespmem:$0x1D000] =	vst v63  }
0x22: {  	_ =	swait.ge [sflag:s25], $0x2000  }
0x23: {  	[sflag:s25] =	ssyncset.done $0x0  }
0x24: {  	s8 =	rddreg [dreg:$0x6];
	[sflag:s25] =	ssyncadd.s32 $0xFFFFE000  }
0x25: {  	[tilespmem:s24], [sflag:$0x5] =	stream.linear.gather [hbm4b:s8+s4], $0x2000, $0x38;
	[tilespmem:$0x1D000] =	vst v63  }
0x26: {  	_ =	swait.ge [sflag:s25], $0x2000  }
0x27: {  	[sflag:s25] =	ssyncset.done $0x0  }
0x28: {  	[sflag:s25] =	ssyncadd.s32 $0xFFFFE000  }
0x29: {  	[spmem:s9] =	stream.linear.scatter [tilespmem:s24], [sflag:$0x5], $0x2000, $0x38;
	[tilespmem:$0x1D000] =	vst v63  }
0x2a: {  	_ =	swait.ge [sflag:s25], $0x2000  }
0x2b: {  	[sflag:s25] =	ssyncset.done $0x0  }
0x2c: {  	[sflag:s25] =	ssyncadd.s32 $0xFFFFE000  }
0x2d: {  	[spmem:s10] =	stream.linear.scatter [tilespmem:s24], [sflag:$0x5], $0x2000, $0x38;
	[tilespmem:$0x1D000] =	vst v63  }
0x2e: {  	_ =	swait.ge [sflag:s25], $0x2000  }
0x2f: {  	[sflag:s25] =	ssyncset.done $0x0  }
0x30: {  	[sflag:s25] =	ssyncadd.s32 $0xFFFFE000  }
0x31: {  	[tilespmem:s24], [sflag:$0x5] =	stream.linear.gather [hbm4b:s11+s4], $0x2000, $0x38;
	[tilespmem:$0x1D000] =	vst v63  }
0x32: {  	_ =	swait.ge [sflag:s25], $0x2000  }
0x33: {  	[sflag:s25] =	ssyncset.done $0x0  }
0x34: {  	[sflag:s25] =	ssyncadd.s32 $0xFFFFE000  }
0x35: {  	[spmem:s12] =	stream.linear.scatter [tilespmem:s24], [sflag:$0x5], $0x2000, $0x38;
	[tilespmem:$0x1D000] =	vst v63  }
0x36: {  	_ =	swait.ge [sflag:s25], $0x2000  }
0x37: {  	[sflag:s25] =	ssyncset.done $0x0  }
0x38: {  	[sflag:s25] =	ssyncadd.s32 $0xFFFFE000  }
0x39: {  	[spmem:s13] =	stream.linear.scatter [tilespmem:s24], [sflag:$0x5], $0x2000, $0x38;
	[tilespmem:$0x1D000] =	vst v63  }
0x3a: {  	_ =	swait.ge [sflag:s25], $0x2000  }
0x3b: {  	[sflag:s25] =	ssyncset.done $0x0  }
0x3c: {  	[sflag:s25] =	ssyncadd.s32 $0xFFFFE000  }
0x3d: {  	[tilespmem:s24], [sflag:$0x5] =	stream.linear.gather [hbm4b:s14+s4], $0x2000, $0x38;
	[tilespmem:$0x1D000] =	vst v63  }
0x3e: {  	_ =	swait.ge [sflag:s25], $0x2000  }
0x3f: {  	[sflag:s25] =	ssyncset.done $0x0  }
0x40: {  	[sflag:s25] =	ssyncadd.s32 $0xFFFFE000  }
0x41: {  	[spmem:s15] =	stream.linear.scatter [tilespmem:s24], [sflag:$0x5], $0x2000, $0x38;
	[tilespmem:$0x1D000] =	vst v63  }
0x42: {  	_ =	swait.ge [sflag:s25], $0x2000  }
0x43: {  	[sflag:s25] =	ssyncset.done $0x0  }
0x44: {  	[sflag:s25] =	ssyncadd.s32 $0xFFFFE000  }
0x45: {  	[spmem:s16] =	stream.linear.scatter [tilespmem:s24], [sflag:$0x5], $0x2000, $0x38;
	[tilespmem:$0x1D000] =	vst v63  }
0x46: {  	_ =	swait.ge [sflag:s25], $0x2000  }
0x47: {  	[sflag:s25] =	ssyncset.done $0x0  }
0x48: {  	[sflag:s25] =	ssyncadd.s32 $0xFFFFE000  }
0x49: {  	[tilespmem:s24], [sflag:$0x5] =	stream.linear.gather [hbm4b:s17+s4], $0x2000, $0x38;
	[tilespmem:$0x1D000] =	vst v63  }
0x4a: {  	_ =	swait.ge [sflag:s25], $0x2000  }
0x4b: {  	[sflag:s25] =	ssyncset.done $0x0  }
0x4c: {  	[sflag:s25] =	ssyncadd.s32 $0xFFFFE000  }
0x4d: {  	[spmem:s18] =	stream.linear.scatter [tilespmem:s24], [sflag:$0x5], $0x2000, $0x38;
	[tilespmem:$0x1D000] =	vst v63  }
0x4e: {  	_ =	swait.ge [sflag:s25], $0x2000  }
0x4f: {  	[sflag:s25] =	ssyncset.done $0x0  }
0x50: {  	[sflag:s25] =	ssyncadd.s32 $0xFFFFE000  }
0x51: {  	[spmem:s19] =	stream.linear.scatter [tilespmem:s24], [sflag:$0x5], $0x2000, $0x38;
	[tilespmem:$0x1D000] =	vst v63  }
0x52: {  	_ =	swait.ge [sflag:s25], $0x2000  }
0x53: {  	[sflag:s25] =	ssyncset.done $0x0  }
0x54: {  	[sflag:s25] =	ssyncadd.s32 $0xFFFFE000  }
0x55: {  	[tilespmem:s4], [sflag:$0x5] =	stream.linear.gather [hbm4b:s20+s4], $0x2800, $0x38;
	[tilespmem:$0x1D000] =	vst v63  }
0x56: {  	_ =	swait.ge [sflag:s25], $0x2800  }
0x57: {  	[sflag:s25] =	ssyncset.done $0x0  }
0x58: {  	s7 =	simm.s32 $0x2800;
	[sflag:s25] =	ssyncadd.s32 $0xFFFFD800  }
0x59: {  	[tilespmem:s7], [sflag:$0x5] =	stream.linear.gather [hbm4b:s21+s4], $0x2800, $0x38;
	[tilespmem:$0x1D000] =	vst v63  }
0x5a: {  	_ =	swait.ge [sflag:s25], $0x2800  }
0x5b: {  	[sflag:s25] =	ssyncset.done $0x0  }
0x5c: {  	[sflag:s25] =	ssyncadd.s32 $0xFFFFD800  }
0x5d: {  	[bflag:$0x0] =	sbarrier.arrive $0xFFFF  }
0x5e: {  	[tilespmem:s24], [sflag:$0x1] =	stream.indirect.gather [spmem:s3], $0x40, s4, s28, $0xb8;
	[tilespmem:$0x1D000] =	vst v63  }
0x5f: {  	_ = 	snop  }
0x60: {  	[tilespmem:s29], [sflag:$0x2] =	stream.indirect.gather [spmem:s3], $0x40, s28, s28, $0xb8;
	[tilespmem:$0x1D000] =	vst v63  }
0x61: {  	_ =	swait.ge [sflag:s30], $0x2000  }
0x62: {  	[sflag:s30] =	ssyncset.done $0x0  }
0x63: {  	s8 =	simm.s32 $0x2800;
	[sflag:s30] =	ssyncadd.s32 $0xFFFFE000  }
0x64: {  	[spmem:s2] =	stream.indirect.scatter.add.f32 [tilespmem:s24], [sflag:$0x3], $0x40, s8, s28, $0xb8;
	[tilespmem:$0x1D000] =	vst v63  }
0x65: {  	_ =	swait.ge [sflag:s31], $0x2000  }
0x66: {  	[sflag:s31] =	ssyncset.done $0x0  }
0x67: {  	s7 =	simm.s32 $0x2880;
	[sflag:s31] =	ssyncadd.s32 $0xFFFFE000  }
0x68: {  	[spmem:s2] =	stream.indirect.scatter.add.f32 [tilespmem:s29], [sflag:$0x4], $0x40, s7, s28, $0xb8;
	[tilespmem:$0x1D000] =	vst v63  }
0x69: {  	_ =	swait.ge [sflag:s0], $0x2000  }
0x6a: {  	[sflag:s0] =	ssyncset.done $0x0  }
0x6b: {  	s8 =	simm.s32 $0x100;
	[sflag:s0] =	ssyncadd.s32 $0xFFFFE000  }
0x6c: {  	[tilespmem:s24], [sflag:$0x1] =	stream.indirect.gather [spmem:s3], $0x40, s8, s28, $0xb8;
	[tilespmem:$0x1D000] =	vst v63  }
0x6d: {  	_ =	swait.ge [sflag:s1], $0x2000  }
0x6e: {  	[sflag:s1] =	ssyncset.done $0x0  }
0x6f: {  	s5 =	simm.s32 $0x400;
	s7 =	simm.s32 $0x180;
	[sflag:s1] =	ssyncadd.s32 $0xFFFFE000  }
.LBB2_2:
0x70: {  	[tilespmem:s29], [sflag:$0x2] =	stream.indirect.gather [spmem:s3], $0x40, s7, s28, $0xb8;
	[tilespmem:$0x1D000] =	vst v63  }
0x71: {  	s7 =	smov.u32 s5  }
0x72: {  	p0 =	sne.s32 s5, $0x9800;
	s5 =	sadd.s32 $0x400, s5;
	_ =	swait.ge [sflag:s30], $0x2000  }
0x73: {  	s7 =	sshra.s32 s7, $0x2;
	[sflag:s30] =	ssyncset.done $0x0  }
0x74: {  	s8 =	sadd.s32 $0x2800, s7;
	[sflag:s30] =	ssyncadd.s32 $0xFFFFE000  }
0x75: {  	[spmem:s2] =	stream.indirect.scatter.add.f32 [tilespmem:s24], [sflag:$0x3], $0x40, s8, s28, $0xb8;
	[tilespmem:$0x1D000] =	vst v63  }
0x76: {  	_ =	swait.ge [sflag:s31], $0x2000  }
0x77: {  	[sflag:s31] =	ssyncset.done $0x0  }
0x78: {  	s8 =	sadd.s32 $0x2880, s7;
	[sflag:s31] =	ssyncadd.s32 $0xFFFFE000  }
0x79: {  	[spmem:s2] =	stream.indirect.scatter.add.f32 [tilespmem:s29], [sflag:$0x4], $0x40, s8, s28, $0xb8;
	[tilespmem:$0x1D000] =	vst v63  }
0x7a: {  	_ =	swait.ge [sflag:s0], $0x2000  }
0x7b: {  	[sflag:s0] =	ssyncset.done $0x0  }
.Ltmp0:
0x7c: {  	s8 =	sadd.s32 $0x100, s7;
	[sflag:s0] =	ssyncadd.s32 $0xFFFFE000;
	(pc) =	sbr.rel @p0 .LBB2_2-.Ltmp0, $4  }
0x7d: {  	[tilespmem:s24], [sflag:$0x1] =	stream.indirect.gather [spmem:s3], $0x40, s8, s28, $0xb8;
	[tilespmem:$0x1D000] =	vst v63  }
0x7e: {  	_ =	swait.ge [sflag:s1], $0x2000  }
0x7f: {  	[sflag:s1] =	ssyncset.done $0x0  }
0x80: {  	s7 =	sadd.s32 $0x180, s7;
	[sflag:s1] =	ssyncadd.s32 $0xFFFFE000  }
0x81: {  	[tilespmem:s29], [sflag:$0x2] =	stream.indirect.gather [spmem:s3], $0x40, s7, s28, $0xb8;
	[tilespmem:$0x1D000] =	vst v63  }
0x82: {  	_ =	swait.ge [sflag:s30], $0x2000  }
0x83: {  	[sflag:s30] =	ssyncset.done $0x0  }
0x84: {  	s5 =	simm.s32 $0x4F00;
	[sflag:s30] =	ssyncadd.s32 $0xFFFFE000  }
0x85: {  	[spmem:s2] =	stream.indirect.scatter.add.f32 [tilespmem:s24], [sflag:$0x3], $0x40, s5, s28, $0xb8;
	[tilespmem:$0x1D000] =	vst v63  }
0x86: {  	_ =	swait.ge [sflag:s31], $0x2000  }
0x87: {  	[sflag:s31] =	ssyncset.done $0x0  }
0x88: {  	s8 =	simm.s32 $0x4F80;
	[sflag:s31] =	ssyncadd.s32 $0xFFFFE000  }
0x89: {  	[spmem:s2] =	stream.indirect.scatter.add.f32 [tilespmem:s29], [sflag:$0x4], $0x40, s8, s28, $0xb8;
	[tilespmem:$0x1D000] =	vst v63  }
0x8a: {  	_ =	swait.ge [sflag:s0], $0x2000  }
0x8b: {  	[sflag:s0] =	ssyncset.done $0x0  }
0x8c: {  	[sflag:s0] =	ssyncadd.s32 $0xFFFFE000  }
0x8d: {  	s7 =	stileid.u32;
	_ =	swait.ge [sflag:s1], $0x2000  }
0x8e: {  	s26 =	sadd.s32 $0x1, s26;
	s5 =	sshll.u32 s7, $0x6;
	[sflag:s1] =	ssyncset.done $0x0  }
0x8f: {  	p0 =	sne.s32 s26, s23;
	s5 =	sor.u32 $0x1C05, s5;
	[sflag:s1] =	ssyncadd.s32 $0xFFFFE000  }
.Ltmp1:
0x90: {  	s8 =	sshrl.u32 s6, $0x3;
	[bflag:$0x0] =	sbarrier.arrive $0xFFFF;
	(pc) =	sbr.rel @p0 .LBB2_1-.Ltmp1, $4  }
0x91: {  	[hbm:s22], [sflag:s5] =	dma.local [spmem:s8], $0x1400  }
0x92: {  	_ =	swait.ge [sflag:s25], $0x1400  }
0x93: {  	[sflag:s25] =	ssyncset.done $0x0  }
0x94: {  	[sflag:s25] =	ssyncadd.s32 $0xFFFFEC00  }
0x95: {  	_ =	sfence.sel $0x180000  }
0x96: {  	[bflag:$0x0] =	sbarrier.arrive $0xFFFF  }
0x97: {  	_ =	strace $0x9000004A  }
0x98: {  	s0 =	stileid.u32;
	[bflag:$0x2] =	sbarrier.arrive $0xFFFF  }
0x99: {  	p0 =	sne.s32 s0, $0x0;
	s0 =	rddreg [dreg:$0x3]  }
0x9a: {  	s0 =	sadd.s32 @!p0 $0x100000, s0  }
0x9b: {  	[sflag:s0] =	ssyncadd.tile.s32 @!p0 $0x1;
	_ =	shalt  }
.Lfunc_end2:
_tile_overlayer_lowered:
.L_overlay_start_2:
0x9c: {  	(tag) =	ssettag $0x2  }
0x9d: {  	s0 =	rddreg [dreg:$0x0];
	s2 =	stileid.u32  }
0x9e: {  	s1 =	rddreg [dreg:$0x1];
	p0 =	sne.s32 s2, $0x0  }
0x9f: {  	s3 =	rddreg [dreg:$0x2];
	[bflag:$0x3] =	sbarrier.arrive $0xFFFF;
	s2 =	simm.s32 @!p0 $0x1C05  }
0xa0: {  	[timem:s3], [sflag:s2] =	dma.local @!p0 [hbm:s0], s1  }
0xa1: {  	s0 =	simm.s32 @!p0 $0x5  }
0xa2: {  	_ =	swait.ge @!p0 [sflag:s0], s1  }
0xa3: {  	s1 =	ssub.s32 @!p0 $0x0, s1;
	[sflag:s0] =	ssyncset.done @!p0 $0x0  }
0xa4: {  	[sflag:s0] =	ssyncadd.s32 @!p0 s1  }
0xa5: {  	[bflag:$0x3] =	sbarrier.arrive $0xFFFF  }
0xa6: {  	_ =	shalt  }

// kernel: kernel.14.cloned.1.call-start
scs
__scs_entry_jumppad:
0x0: {  	(pc) =	sbr.rel $0x88, $3  }
0x1: {  	(tag) =	ssettag $0x0;
	lr =	simm.s32 $0x1  }
0x2: {  	[smem:$0x3F99] =	sst lr;
	_ =	strace $0xD0000000  }
0x3: {  	_ = 	snop  }
0x4: {  	_ = 	snop  }
0x5: {  	_ = 	snop  }
0x6: {  	_ = 	snop  }
0x7: {  	_ = 	snop  }
__scs_overlays_trampoline_lowered:
0x8: {  	[smem:$0x3FA8] =	sst s0  }
0x9: {  	[smem:$0x3FA9] =	sst s1  }
0xa: {  	[smem:$0x3FAA] =	sst s2  }
0xb: {  	[smem:$0x3FAB] =	sst s3  }
0xc: {  	[smem:$0x3FAC] =	sst s4  }
0xd: {  	[smem:$0x3FAD] =	sst s5  }
0xe: {  	[smem:$0x3FAE] =	sst s6  }
0xf: {  	[smem:$0x3FAF] =	sst s7  }
0x10: {  	[smem:$0x3FB0] =	sst s8  }
0x11: {  	[smem:$0x3FB1] =	sst s9;
	s0 =	simm.s32 @!p0 $0x0  }
0x12: {  	s1 =	sld [smem:$0x3F97];
	s0 =	simm.s32 @p0 $0x1  }
0x13: {  	[smem:$0x3FB2] =	sst s0;
	s0 =	simm.s32 @!p1 $0x0  }
0x14: {  	s2 =	sld [smem:$0x3F96];
	s0 =	simm.s32 @p1 $0x1  }
0x15: {  	[smem:$0x3FB3] =	sst s0;
	s0 =	simm.s32 @!p2 $0x0  }
0x16: {  	s3 =	sld [smem:$0x3FDB];
	s0 =	simm.s32 @p2 $0x1  }
0x17: {  	s4 =	simm.s32 $0x1BF5;
	[smem:$0x3FB5] =	sst s0  }
0x18: {  	s0 =	sld [smem:$0x3F98];
	_ =	swait.ge [sflag:s4], $0x0  }
0x19: {  	s7 =	sld [smem:$0x3F99]  }
0x1a: {  	s8 =	sadd.s32 $0xFFFFE003, lr  }
0x1b: {  	s9 =	sadd.s32 $0xFFFFFEF7, lr;
	s5 =	simm.s32 $0xFFFFFFFF;
	p2 =	slt.u32 s8, $0xFFFFF086  }
0x1c: {  	p1 =	slt.u32 s9, $0xF7A;
	s5 =	simm.s32 @!p2 $0x0  }
0x1d: {  	s5 =	simm.s32 @p1 $0x1;
	p0 =	seq.s32 s7, s2  }
0x1e: {  	s7 =	smul.u32 @!p0 $0xF7A, s2;
	p2 =	seq.s32 @!p0 s5, $0x0  }
0x1f: {  	s9 =	smul.u32 $0xF7A, s1;
	s8 =	simm.s32 @!p0 $0x1BF5;
	p2 =	por !p2, p0  }
0x20: {  	[sflag:s8] =	ssyncset.s32 @!p0 $0xFFFFF086;
	s6 =	sadd.s32 @!p0 s3, s7;
	s7 =	simm.s32 @!p0 $0x108  }
0x21: {  	s3 =	sadd.s32 s3, s9;
	s6 =	sadd.s32 @!p0 $0x88, s6;
	s7 =	simm.s32 @p2 $0x1082  }
0x22: {  	[simem:s7], [sflag:s8] =	dma.local @!p0 [hbm:s6], $0xF7A  }
0x23: {  	s9 =	sor.u32 $0xD0000000, s2;
	s6 =	simm.s32 $0x108;
	_ =	swait.ge @!p0 [sflag:s8], $0x0  }
0x24: {  	s3 =	sadd.s32 $0x88, s3;
	s6 =	simm.s32 @!p1 $0x1082;
	[sflag:s4] =	ssyncset.s32 $0xFFFFF086  }
0x25: {  	[simem:s6], [sflag:s4] =	dma.local [hbm:s3], $0xF7A  }
0x26: {  	[smem:$0x3F99] =	sst s1;
	(tag) =	ssettag s2;
	_ =	strace s9  }
0x27: {  	s1 =	sld [smem:$0x3FA9]  }
0x28: {  	s2 =	sld [smem:$0x3FAA]  }
0x29: {  	s4 =	sld [smem:$0x3FAC]  }
0x2a: {  	p0 =	seq.s32 s5, $0x0;
	s5 =	sld [smem:$0x3FAD]  }
0x2b: {  	s6 =	sld [smem:$0x3FAE]  }
0x2c: {  	s7 =	sld [smem:$0x3FAF]  }
0x2d: {  	s3 =	simm.s32 $0x108;
	s8 =	sld [smem:$0x3FB0]  }
0x2e: {  	s3 =	simm.s32 @!p0 $0x1082;
	s9 =	sld [smem:$0x3FB1]  }
0x2f: {  	lr =	sadd.s32 s0, s3;
	s0 =	sld [smem:$0x3FA8]  }
0x30: {  	s3 =	sld [smem:$0x3FAB]  }
0x31: {  	[smem:$0x3FB4] =	sst s10  }
0x32: {  	s10 =	sld [smem:$0x3FB2];
	_ =	sdelay $0x3  }
0x33: {  	p0 =	seq.s32 s10, $0x1;
	s10 =	sld [smem:$0x3FB4];
	_ =	sdelay $0x3  }
0x34: {  	[smem:$0x3FB4] =	sst s10  }
0x35: {  	s10 =	sld [smem:$0x3FB3];
	_ =	sdelay $0x3  }
0x36: {  	p1 =	seq.s32 s10, $0x1;
	s10 =	sld [smem:$0x3FB4];
	_ =	sdelay $0x3  }
0x37: {  	[smem:$0x3FB4] =	sst s10  }
0x38: {  	s10 =	sld [smem:$0x3FB5]  }
0x39: {  	_ = 	snop;
	(pc) =	sbr.ind lr, $3  }
0x3a: {  	_ = 	snop  }
0x3b: {  	_ = 	snop  }
0x3c: {  	p2 =	seq.s32 s10, $0x1;
	s10 =	sld [smem:$0x3FB4]  }
0x3d: {  	_ =	shalt  }
0x3e: {  	_ =	shalt  }
0x3f: {  	_ =	shalt  }
0x40: {  	_ =	shalt  }
0x41: {  	_ =	shalt  }
0x42: {  	_ =	shalt  }
0x43: {  	_ =	shalt  }
0x44: {  	_ =	shalt  }
0x45: {  	_ =	shalt  }
0x46: {  	_ =	shalt  }
0x47: {  	_ =	shalt  }
0x48: {  	_ =	shalt  }
0x49: {  	_ =	shalt  }
0x4a: {  	_ =	shalt  }
0x4b: {  	_ =	shalt  }
0x4c: {  	_ =	shalt  }
0x4d: {  	_ =	shalt  }
0x4e: {  	_ =	shalt  }
0x4f: {  	_ =	shalt  }
0x50: {  	_ =	shalt  }
0x51: {  	_ =	shalt  }
0x52: {  	_ =	shalt  }
0x53: {  	_ =	shalt  }
0x54: {  	_ =	shalt  }
0x55: {  	_ =	shalt  }
0x56: {  	_ =	shalt  }
0x57: {  	_ =	shalt  }
0x58: {  	_ =	shalt  }
0x59: {  	_ =	shalt  }
0x5a: {  	_ =	shalt  }
0x5b: {  	_ =	shalt  }
0x5c: {  	_ =	shalt  }
0x5d: {  	_ =	shalt  }
0x5e: {  	_ =	shalt  }
0x5f: {  	_ =	shalt  }
0x60: {  	_ =	shalt  }
0x61: {  	_ =	shalt  }
0x62: {  	_ =	shalt  }
0x63: {  	_ =	shalt  }
0x64: {  	_ =	shalt  }
0x65: {  	_ =	shalt  }
0x66: {  	_ =	shalt  }
0x67: {  	_ =	shalt  }
0x68: {  	_ =	shalt  }
0x69: {  	_ =	shalt  }
0x6a: {  	_ =	shalt  }
0x6b: {  	_ =	shalt  }
0x6c: {  	_ =	shalt  }
0x6d: {  	_ =	shalt  }
0x6e: {  	_ =	shalt  }
0x6f: {  	_ =	shalt  }
0x70: {  	_ =	shalt  }
0x71: {  	_ =	shalt  }
0x72: {  	_ =	shalt  }
0x73: {  	_ =	shalt  }
0x74: {  	_ =	shalt  }
0x75: {  	_ =	shalt  }
0x76: {  	_ =	shalt  }
0x77: {  	_ =	shalt  }
0x78: {  	_ =	shalt  }
0x79: {  	_ =	shalt  }
0x7a: {  	_ =	shalt  }
0x7b: {  	_ =	shalt  }
0x7c: {  	_ =	shalt  }
0x7d: {  	_ =	shalt  }
0x7e: {  	_ =	shalt  }
0x7f: {  	_ =	shalt  }
0x80: {  	_ =	shalt  }
0x81: {  	_ =	shalt  }
0x82: {  	_ =	shalt  }
0x83: {  	_ =	shalt  }
0x84: {  	_ =	shalt  }
0x85: {  	_ =	shalt  }
0x86: {  	_ =	shalt  }
0x87: {  	_ =	shalt  }
.Lfunc_end0:
.L_simem_size_0:
called_computation.2_lowered:
.L_overlay_start_0:
0x88: {  	s2 =	sld [smem:$0x3FD9]  }
0x89: {  	s3 =	sld [smem:$0x3FFE];
	_ =	sdelay $0x1  }
0x8a: {  	s1 =	srdreg.scid  }
0x8b: {  	s0 =	sand.u32 $0x1, s1  }
0x8c: {  	s16 =	sshll.u32 s0, $0xA;
	s2 =	sadd.s32 s3, s2  }
0x8d: {  	s2 =	sadd.s32 s2, s16  }
0x8e: {  	[smem:$0x3FC0] =	sst s2  }
0x8f: {  	_ = 	snop  }
0x90: {  	(tm) =	ssettm $0x1  }
0x91: {  	s17 =	sld [smem:$0x3FFB];
	_ =	sdelay $0x3  }
0x92: {  	_ =	strace s17  }
0x93: {  	s2 =	sld [smem:$0x3FFC];
	_ =	sdelay $0x3  }
0x94: {  	_ =	strace s2  }
0x95: {  	s2 =	sld [smem:$0x3FFD];
	_ =	sdelay $0x3  }
0x96: {  	_ =	strace s2  }
0x97: {  	_ =	strace $0x8FFFFFFF  }
0x98: {  	s18 =	sld [smem:$0x3FDB];
	_ =	sdelay $0x1  }
0x99: {  	s19 =	simm.s32 $_scs_section_size  }
0x9a: {  	s4 =	simm.s32 $_size__tile_overlayer_lowered;
	s5 =	simm.s32 $_tile_overlayer_lowered  }
0x9b: {  	s22 =	simm.s32 $0x1BFF;
	s21 =	sshll.u32 s5, $0x1;
	s2 =	sadd.s32 s19, s18  }
0x9c: {  	s6 =	simm.s32 $0x0;
	s20 =	sshll.u32 s4, $0x1;
	s4 =	sadd.s32 s21, s2  }
0x9d: {  	[timem:s6], [sflag:s22] =	dma.local [hbm:s4], s20  }
0x9e: {  	_ =	swait.ge [sflag:s22], s20  }
0x9f: {  	s3 =	ssub.s32 $0x0, s20;
	[sflag:s22] =	ssyncset.done $0x0  }
0xa0: {  	[sflag:s22] =	ssyncadd.s32 s3;
	_ =	sdelay $0x1  }
0xa1: {  	s23 =	simm.s32 $0x1B8B  }
0xa2: {  	_ =	swait.ge [sflag:s23], $0x1  }
0xa3: {  	[sflag:s23] =	ssyncset.done $0x0  }
0xa4: {  	s25 =	simm.s32 $0x1B8E;
	s24 =	sld [smem:$0x3FFE];
	[sflag:s23] =	ssyncadd.s32 $0xFFFFFFFF  }
0xa5: {  	s26 =	simm.s32 $execute0_lowered;
	[smem:$0x3FD2] =	sst s25  }
0xa6: {  	s4 =	sshll.u32 s26, $0x1;
	_ =	strace $0x8000004C;
	[dreg:$0x1] =	wrdreg $0xFFFFFFFF  }
0xa7: {  	s28 =	simm.s32 $_size_execute0_lowered;
	s2 =	sadd.s32 s2, s4;
	[dreg:$0x0] =	wrdreg $0x0  }
0xa8: {  	s4 =	sshll.u32 s28, $0x1;
	[dreg:$0x2] =	wrdreg s2  }
0xa9: {  	[dreg:$0x3] =	wrdreg s4  }
0xaa: {  	[dreg:$0x4] =	wrdreg $0xC0  }
0xab: {  	_ =	task [dreg:s6], $0x5FFFF  }
0xac: {  	[dreg:$0x1] =	wrdreg $0xFFFFFFFF  }
0xad: {  	[dreg:$0x0] =	wrdreg $0x60  }
0xae: {  	[dreg:$0x2] =	wrdreg s24  }
0xaf: {  	[dreg:$0x3] =	wrdreg $0x90000  }
0xb0: {  	[dreg:$0x4] =	wrdreg $0x130000  }
0xb1: {  	[dreg:$0x5] =	wrdreg $0x9  }
0xb2: {  	_ =	task.clear_ibuf [dreg:s6], $0x6FFFF;
	_ =	strace $0x9000004C  }
0xb3: {  	s29 =	simm.s32 $0x9;
	_ =	strace $0x8000004E  }
0xb4: {  	_ =	swait.ge [sflag:s29], $0x1  }
0xb5: {  	[sflag:s29] =	ssyncadd.s32 $0xFFFFFFFF  }
0xb6: {  	_ =	strace $0x9000004E  }
0xb7: {  	_ =	sfence  }
0xb8: {  	s30 =	sld [smem:$0x0];
	_ =	sdelay $0x2  }
0xb9: {  	s31 =	sshll.u32 s1, $0xD;
	s1 =	sshrl.u32 s1, $0x2  }
0xba: {  	s3 =	sand.u32 $0x4000, s31;
	s1 =	sadd.s32 s1, s30  }
0xbb: {  	s0 =	sor.u32 s3, s0;
	s1 =	sshll.u32 s1, $0x11  }
0xbc: {  	s0 =	sor.u32 s1, s0  }
0xbd: {  	s0 =	sadd.s32 $0x8F2B, s0  }
0xbe: {  	[sflag:s0] =	ssyncadd.remote.s32 $0x1  }
0xbf: {  	_ =	sfence.sel $0xFFFF  }
0xc0: {  	[dreg:$0x0] =	wrdreg $0xFFFFFFFF;
	(pc) =	sbr.abs _section_cstart, $3  }
0xc1: {  	[dreg:$0x1] =	wrdreg $0xFFFFFFFF  }
0xc2: {  	_ =	task.clear_ibuf [dreg:s6], $0x2FFFF;
	_ =	strace $0x9FFFFFFF  }
0xc3: {  	(tm) =	ssettm $0x7FFFFFFF  }
tec
execute0_lowered:
.L_overlay_start_1:
0x0: {  	(tag) =	ssettag $0x1  }
0x1: {  	s0 =	rddreg [dreg:$0x0]  }
0x2: {  	s2 =	rddreg [dreg:$0x1]  }
0x3: {  	s3 =	rddreg [dreg:$0x2]  }
0x4: {  	s1 =	srdreg.scid;
	s6 =	stileid.u32  }
0x5: {  	s4 =	simm.s32 $0x0;
	s28 =	simm.s32 $0x80;
	s29 =	simm.s32 $0x7000  }
0x6: {  	s30 =	simm.s32 $0x1;
	s31 =	simm.s32 $0x2;
	s1 =	sand.u32 $0x1, s1  }
0x7: {  	s7 =	smul.u32 $0xA000, s6;
	[smem:$0x7FF] =	sst s4;
	s17 =	sadd.s32 $0x1F800, s0  }
0x8: {  	s5 =	sshll.u32 s1, $0x4;
	s23 =	smul.u32 $0xA0000, s1;
	s1 =	ssub.s32 $0x2, s1  }
0x9: {  	_ =	strace $0x8000004D;
	s5 =	sor.u32 s6, s5;
	s8 =	sshrl.u32 s1, $0x1  }
0xa: {  	s24 =	sshrl.u32 s7, $0x3;
	s10 =	sadd.s32 $0x2000, s7;
	s25 =	sadd.s32 s7, s3  }
0xb: {  	s13 =	sadd.s32 $0x4000, s7;
	s16 =	sadd.s32 $0x6000, s7;
	s5 =	smul.u32 $0x500, s5  }
0xc: {  	s6 =	sadd.s32 s7, s23;
	s1 =	ssub.s32 s1, s8;
	[dreg:$0x5] =	wrdreg s25  }
0xd: {  	s26 =	sshrl.u32 s10, $0x3;
	s9 =	sadd.s32 s10, s2;
	s11 =	sshrl.u32 s13, $0x3  }
0xe: {  	s10 =	sadd.s32 s10, s3;
	s12 =	sadd.s32 s13, s2;
	s14 =	sshrl.u32 s16, $0x3  }
0xf: {  	s13 =	sadd.s32 s13, s3;
	s15 =	sadd.s32 s16, s2;
	s16 =	sadd.s32 s16, s3  }
0x10: {  	s25 =	simm.s32 $0x5;
	s6 =	sshrl.u32 s6, $0x3;
	s8 =	sadd.s32 s17, s26  }
0x11: {  	s11 =	sadd.s32 s17, s11;
	s14 =	sadd.s32 s17, s14;
	s23 =	smax.u32 s1, $0x1  }
0x12: {  	s1 =	simm.s32 $0x4;
	s26 =	simm.s32 $0x0;
	s5 =	sadd.s32 s5, s0  }
0x13: {  	s0 =	sadd.s32 s6, s0;
	s6 =	sadd.s32 s17, s24;
	[dreg:$0x6] =	wrdreg s8  }
0x14: {  	s24 =	simm.s32 $0x5000;
	[dreg:$0x4] =	wrdreg s6;
	s6 =	sadd.s32 s7, s2  }
0x15: {  	s7 =	sadd.s32 $0x8000, s7;
	s20 =	sadd.s32 $0x15800, s5;
	s21 =	sadd.s32 $0x1800, s5  }
0x16: {  	s22 =	sadd.s32 $0x33800, s0;
	s0 =	simm.s32 $0x3;
	s18 =	sshrl.u32 s7, $0x3  }
0x17: {  	s19 =	sadd.s32 s7, s3;
	s17 =	sadd.s32 s17, s18;
	s18 =	sadd.s32 s7, s2  }
.LBB2_1:
0x18: {  	s5 =	rddreg [dreg:$0x4]  }
0x19: {  	[tilespmem:s24], [sflag:$0x5] =	stream.linear.gather [hbm4b:s5+s4], $0x2000, $0x38;
	[tilespmem:$0x1D000] =	vst v63  }
0x1a: {  	_ =	swait.ge [sflag:s25], $0x2000  }
0x1b: {  	[sflag:s25] =	ssyncset.done $0x0  }
0x1c: {  	[sflag:s25] =	ssyncadd.s32 $0xFFFFE000  }
0x1d: {  	[spmem:s6] =	stream.linear.scatter [tilespmem:s24], [sflag:$0x5], $0x2000, $0x38;
	[tilespmem:$0x1D000] =	vst v63  }
0x1e: {  	_ =	swait.ge [sflag:s25], $0x2000  }
0x1f: {  	[sflag:s25] =	ssyncset.done $0x0  }
0x20: {  	s7 =	rddreg [dreg:$0x5];
	[sflag:s25] =	ssyncadd.s32 $0xFFFFE000  }
0x21: {  	[spmem:s7] =	stream.linear.scatter [tilespmem:s24], [sflag:$0x5], $0x2000, $0x38;
	[tilespmem:$0x1D000] =	vst v63  }
0x22: {  	_ =	swait.ge [sflag:s25], $0x2000  }
0x23: {  	[sflag:s25] =	ssyncset.done $0x0  }
0x24: {  	s8 =	rddreg [dreg:$0x6];
	[sflag:s25] =	ssyncadd.s32 $0xFFFFE000  }
0x25: {  	[tilespmem:s24], [sflag:$0x5] =	stream.linear.gather [hbm4b:s8+s4], $0x2000, $0x38;
	[tilespmem:$0x1D000] =	vst v63  }
0x26: {  	_ =	swait.ge [sflag:s25], $0x2000  }
0x27: {  	[sflag:s25] =	ssyncset.done $0x0  }
0x28: {  	[sflag:s25] =	ssyncadd.s32 $0xFFFFE000  }
0x29: {  	[spmem:s9] =	stream.linear.scatter [tilespmem:s24], [sflag:$0x5], $0x2000, $0x38;
	[tilespmem:$0x1D000] =	vst v63  }
0x2a: {  	_ =	swait.ge [sflag:s25], $0x2000  }
0x2b: {  	[sflag:s25] =	ssyncset.done $0x0  }
0x2c: {  	[sflag:s25] =	ssyncadd.s32 $0xFFFFE000  }
0x2d: {  	[spmem:s10] =	stream.linear.scatter [tilespmem:s24], [sflag:$0x5], $0x2000, $0x38;
	[tilespmem:$0x1D000] =	vst v63  }
0x2e: {  	_ =	swait.ge [sflag:s25], $0x2000  }
0x2f: {  	[sflag:s25] =	ssyncset.done $0x0  }
0x30: {  	[sflag:s25] =	ssyncadd.s32 $0xFFFFE000  }
0x31: {  	[tilespmem:s24], [sflag:$0x5] =	stream.linear.gather [hbm4b:s11+s4], $0x2000, $0x38;
	[tilespmem:$0x1D000] =	vst v63  }
0x32: {  	_ =	swait.ge [sflag:s25], $0x2000  }
0x33: {  	[sflag:s25] =	ssyncset.done $0x0  }
0x34: {  	[sflag:s25] =	ssyncadd.s32 $0xFFFFE000  }
0x35: {  	[spmem:s12] =	stream.linear.scatter [tilespmem:s24], [sflag:$0x5], $0x2000, $0x38;
	[tilespmem:$0x1D000] =	vst v63  }
0x36: {  	_ =	swait.ge [sflag:s25], $0x2000  }
0x37: {  	[sflag:s25] =	ssyncset.done $0x0  }
0x38: {  	[sflag:s25] =	ssyncadd.s32 $0xFFFFE000  }
0x39: {  	[spmem:s13] =	stream.linear.scatter [tilespmem:s24], [sflag:$0x5], $0x2000, $0x38;
	[tilespmem:$0x1D000] =	vst v63  }
0x3a: {  	_ =	swait.ge [sflag:s25], $0x2000  }
0x3b: {  	[sflag:s25] =	ssyncset.done $0x0  }
0x3c: {  	[sflag:s25] =	ssyncadd.s32 $0xFFFFE000  }
0x3d: {  	[tilespmem:s24], [sflag:$0x5] =	stream.linear.gather [hbm4b:s14+s4], $0x2000, $0x38;
	[tilespmem:$0x1D000] =	vst v63  }
0x3e: {  	_ =	swait.ge [sflag:s25], $0x2000  }
0x3f: {  	[sflag:s25] =	ssyncset.done $0x0  }
0x40: {  	[sflag:s25] =	ssyncadd.s32 $0xFFFFE000  }
0x41: {  	[spmem:s15] =	stream.linear.scatter [tilespmem:s24], [sflag:$0x5], $0x2000, $0x38;
	[tilespmem:$0x1D000] =	vst v63  }
0x42: {  	_ =	swait.ge [sflag:s25], $0x2000  }
0x43: {  	[sflag:s25] =	ssyncset.done $0x0  }
0x44: {  	[sflag:s25] =	ssyncadd.s32 $0xFFFFE000  }
0x45: {  	[spmem:s16] =	stream.linear.scatter [tilespmem:s24], [sflag:$0x5], $0x2000, $0x38;
	[tilespmem:$0x1D000] =	vst v63  }
0x46: {  	_ =	swait.ge [sflag:s25], $0x2000  }
0x47: {  	[sflag:s25] =	ssyncset.done $0x0  }
0x48: {  	[sflag:s25] =	ssyncadd.s32 $0xFFFFE000  }
0x49: {  	[tilespmem:s24], [sflag:$0x5] =	stream.linear.gather [hbm4b:s17+s4], $0x2000, $0x38;
	[tilespmem:$0x1D000] =	vst v63  }
0x4a: {  	_ =	swait.ge [sflag:s25], $0x2000  }
0x4b: {  	[sflag:s25] =	ssyncset.done $0x0  }
0x4c: {  	[sflag:s25] =	ssyncadd.s32 $0xFFFFE000  }
0x4d: {  	[spmem:s18] =	stream.linear.scatter [tilespmem:s24], [sflag:$0x5], $0x2000, $0x38;
	[tilespmem:$0x1D000] =	vst v63  }
0x4e: {  	_ =	swait.ge [sflag:s25], $0x2000  }
0x4f: {  	[sflag:s25] =	ssyncset.done $0x0  }
0x50: {  	[sflag:s25] =	ssyncadd.s32 $0xFFFFE000  }
0x51: {  	[spmem:s19] =	stream.linear.scatter [tilespmem:s24], [sflag:$0x5], $0x2000, $0x38;
	[tilespmem:$0x1D000] =	vst v63  }
0x52: {  	_ =	swait.ge [sflag:s25], $0x2000  }
0x53: {  	[sflag:s25] =	ssyncset.done $0x0  }
0x54: {  	[sflag:s25] =	ssyncadd.s32 $0xFFFFE000  }
0x55: {  	[tilespmem:s4], [sflag:$0x5] =	stream.linear.gather [hbm4b:s20+s4], $0x2800, $0x38;
	[tilespmem:$0x1D000] =	vst v63  }
0x56: {  	_ =	swait.ge [sflag:s25], $0x2800  }
0x57: {  	[sflag:s25] =	ssyncset.done $0x0  }
0x58: {  	s7 =	simm.s32 $0x2800;
	[sflag:s25] =	ssyncadd.s32 $0xFFFFD800  }
0x59: {  	[tilespmem:s7], [sflag:$0x5] =	stream.linear.gather [hbm4b:s21+s4], $0x2800, $0x38;
	[tilespmem:$0x1D000] =	vst v63  }
0x5a: {  	_ =	swait.ge [sflag:s25], $0x2800  }
0x5b: {  	[sflag:s25] =	ssyncset.done $0x0  }
0x5c: {  	[sflag:s25] =	ssyncadd.s32 $0xFFFFD800  }
0x5d: {  	[bflag:$0x0] =	sbarrier.arrive $0xFFFF  }
0x5e: {  	[tilespmem:s24], [sflag:$0x1] =	stream.indirect.gather [spmem:s3], $0x40, s4, s28, $0xb8;
	[tilespmem:$0x1D000] =	vst v63  }
0x5f: {  	_ = 	snop  }
0x60: {  	[tilespmem:s29], [sflag:$0x2] =	stream.indirect.gather [spmem:s3], $0x40, s28, s28, $0xb8;
	[tilespmem:$0x1D000] =	vst v63  }
0x61: {  	_ =	swait.ge [sflag:s30], $0x2000  }
0x62: {  	[sflag:s30] =	ssyncset.done $0x0  }
0x63: {  	s8 =	simm.s32 $0x2800;
	[sflag:s30] =	ssyncadd.s32 $0xFFFFE000  }
0x64: {  	[spmem:s2] =	stream.indirect.scatter.add.f32 [tilespmem:s24], [sflag:$0x3], $0x40, s8, s28, $0xb8;
	[tilespmem:$0x1D000] =	vst v63  }
0x65: {  	_ =	swait.ge [sflag:s31], $0x2000  }
0x66: {  	[sflag:s31] =	ssyncset.done $0x0  }
0x67: {  	s7 =	simm.s32 $0x2880;
	[sflag:s31] =	ssyncadd.s32 $0xFFFFE000  }
0x68: {  	[spmem:s2] =	stream.indirect.scatter.add.f32 [tilespmem:s29], [sflag:$0x4], $0x40, s7, s28, $0xb8;
	[tilespmem:$0x1D000] =	vst v63  }
0x69: {  	_ =	swait.ge [sflag:s0], $0x2000  }
0x6a: {  	[sflag:s0] =	ssyncset.done $0x0  }
0x6b: {  	s8 =	simm.s32 $0x100;
	[sflag:s0] =	ssyncadd.s32 $0xFFFFE000  }
0x6c: {  	[tilespmem:s24], [sflag:$0x1] =	stream.indirect.gather [spmem:s3], $0x40, s8, s28, $0xb8;
	[tilespmem:$0x1D000] =	vst v63  }
0x6d: {  	_ =	swait.ge [sflag:s1], $0x2000  }
0x6e: {  	[sflag:s1] =	ssyncset.done $0x0  }
0x6f: {  	s5 =	simm.s32 $0x400;
	s7 =	simm.s32 $0x180;
	[sflag:s1] =	ssyncadd.s32 $0xFFFFE000  }
.LBB2_2:
0x70: {  	[tilespmem:s29], [sflag:$0x2] =	stream.indirect.gather [spmem:s3], $0x40, s7, s28, $0xb8;
	[tilespmem:$0x1D000] =	vst v63  }
0x71: {  	s7 =	smov.u32 s5  }
0x72: {  	p0 =	sne.s32 s5, $0x9800;
	s5 =	sadd.s32 $0x400, s5;
	_ =	swait.ge [sflag:s30], $0x2000  }
0x73: {  	s7 =	sshra.s32 s7, $0x2;
	[sflag:s30] =	ssyncset.done $0x0  }
0x74: {  	s8 =	sadd.s32 $0x2800, s7;
	[sflag:s30] =	ssyncadd.s32 $0xFFFFE000  }
0x75: {  	[spmem:s2] =	stream.indirect.scatter.add.f32 [tilespmem:s24], [sflag:$0x3], $0x40, s8, s28, $0xb8;
	[tilespmem:$0x1D000] =	vst v63  }
0x76: {  	_ =	swait.ge [sflag:s31], $0x2000  }
0x77: {  	[sflag:s31] =	ssyncset.done $0x0  }
0x78: {  	s8 =	sadd.s32 $0x2880, s7;
	[sflag:s31] =	ssyncadd.s32 $0xFFFFE000  }
0x79: {  	[spmem:s2] =	stream.indirect.scatter.add.f32 [tilespmem:s29], [sflag:$0x4], $0x40, s8, s28, $0xb8;
	[tilespmem:$0x1D000] =	vst v63  }
0x7a: {  	_ =	swait.ge [sflag:s0], $0x2000  }
0x7b: {  	[sflag:s0] =	ssyncset.done $0x0  }
.Ltmp0:
0x7c: {  	s8 =	sadd.s32 $0x100, s7;
	[sflag:s0] =	ssyncadd.s32 $0xFFFFE000;
	(pc) =	sbr.rel @p0 .LBB2_2-.Ltmp0, $4  }
0x7d: {  	[tilespmem:s24], [sflag:$0x1] =	stream.indirect.gather [spmem:s3], $0x40, s8, s28, $0xb8;
	[tilespmem:$0x1D000] =	vst v63  }
0x7e: {  	_ =	swait.ge [sflag:s1], $0x2000  }
0x7f: {  	[sflag:s1] =	ssyncset.done $0x0  }
0x80: {  	s7 =	sadd.s32 $0x180, s7;
	[sflag:s1] =	ssyncadd.s32 $0xFFFFE000  }
0x81: {  	[tilespmem:s29], [sflag:$0x2] =	stream.indirect.gather [spmem:s3], $0x40, s7, s28, $0xb8;
	[tilespmem:$0x1D000] =	vst v63  }
0x82: {  	_ =	swait.ge [sflag:s30], $0x2000  }
0x83: {  	[sflag:s30] =	ssyncset.done $0x0  }
0x84: {  	s5 =	simm.s32 $0x4F00;
	[sflag:s30] =	ssyncadd.s32 $0xFFFFE000  }
0x85: {  	[spmem:s2] =	stream.indirect.scatter.add.f32 [tilespmem:s24], [sflag:$0x3], $0x40, s5, s28, $0xb8;
	[tilespmem:$0x1D000] =	vst v63  }
0x86: {  	_ =	swait.ge [sflag:s31], $0x2000  }
0x87: {  	[sflag:s31] =	ssyncset.done $0x0  }
0x88: {  	s8 =	simm.s32 $0x4F80;
	[sflag:s31] =	ssyncadd.s32 $0xFFFFE000  }
0x89: {  	[spmem:s2] =	stream.indirect.scatter.add.f32 [tilespmem:s29], [sflag:$0x4], $0x40, s8, s28, $0xb8;
	[tilespmem:$0x1D000] =	vst v63  }
0x8a: {  	_ =	swait.ge [sflag:s0], $0x2000  }
0x8b: {  	[sflag:s0] =	ssyncset.done $0x0  }
0x8c: {  	[sflag:s0] =	ssyncadd.s32 $0xFFFFE000  }
0x8d: {  	s7 =	stileid.u32;
	_ =	swait.ge [sflag:s1], $0x2000  }
0x8e: {  	s26 =	sadd.s32 $0x1, s26;
	s5 =	sshll.u32 s7, $0x6;
	[sflag:s1] =	ssyncset.done $0x0  }
0x8f: {  	p0 =	sne.s32 s26, s23;
	s5 =	sor.u32 $0x1C05, s5;
	[sflag:s1] =	ssyncadd.s32 $0xFFFFE000  }
.Ltmp1:
0x90: {  	s8 =	sshrl.u32 s6, $0x3;
	[bflag:$0x0] =	sbarrier.arrive $0xFFFF;
	(pc) =	sbr.rel @p0 .LBB2_1-.Ltmp1, $4  }
0x91: {  	[hbm:s22], [sflag:s5] =	dma.local [spmem:s8], $0x1400  }
0x92: {  	_ =	swait.ge [sflag:s25], $0x1400  }
0x93: {  	[sflag:s25] =	ssyncset.done $0x0  }
0x94: {  	[sflag:s25] =	ssyncadd.s32 $0xFFFFEC00  }
0x95: {  	_ =	sfence.sel $0x180000  }
0x96: {  	[bflag:$0x0] =	sbarrier.arrive $0xFFFF  }
0x97: {  	_ =	strace $0x9000004D  }
0x98: {  	s0 =	stileid.u32;
	[bflag:$0x2] =	sbarrier.arrive $0xFFFF  }
0x99: {  	p0 =	sne.s32 s0, $0x0;
	s0 =	rddreg [dreg:$0x3]  }
0x9a: {  	s0 =	sadd.s32 @!p0 $0x100000, s0  }
0x9b: {  	[sflag:s0] =	ssyncadd.tile.s32 @!p0 $0x1;
	_ =	shalt  }
.Lfunc_end2:
_tile_overlayer_lowered:
.L_overlay_start_2:
0x9c: {  	(tag) =	ssettag $0x2  }
0x9d: {  	s0 =	rddreg [dreg:$0x0];
	s2 =	stileid.u32  }
0x9e: {  	s1 =	rddreg [dreg:$0x1];
	p0 =	sne.s32 s2, $0x0  }
0x9f: {  	s3 =	rddreg [dreg:$0x2];
	[bflag:$0x3] =	sbarrier.arrive $0xFFFF;
	s2 =	simm.s32 @!p0 $0x1C05  }
0xa0: {  	[timem:s3], [sflag:s2] =	dma.local @!p0 [hbm:s0], s1  }
0xa1: {  	s0 =	simm.s32 @!p0 $0x5  }
0xa2: {  	_ =	swait.ge @!p0 [sflag:s0], s1  }
0xa3: {  	s1 =	ssub.s32 @!p0 $0x0, s1;
	[sflag:s0] =	ssyncset.done @!p0 $0x0  }
0xa4: {  	[sflag:s0] =	ssyncadd.s32 @!p0 s1  }
0xa5: {  	[bflag:$0x3] =	sbarrier.arrive $0xFFFF  }
0xa6: {  	_ =	shalt  }

// kernel: kernel.8.cloned.1.call-start
scs
__scs_entry_jumppad:
0x0: {  	(pc) =	sbr.rel $0x88, $3  }
0x1: {  	(tag) =	ssettag $0x0;
	lr =	simm.s32 $0x1  }
0x2: {  	[smem:$0x3F99] =	sst lr;
	_ =	strace $0xD0000000  }
0x3: {  	_ = 	snop  }
0x4: {  	_ = 	snop  }
0x5: {  	_ = 	snop  }
0x6: {  	_ = 	snop  }
0x7: {  	_ = 	snop  }
__scs_overlays_trampoline_lowered:
0x8: {  	[smem:$0x3FA8] =	sst s0  }
0x9: {  	[smem:$0x3FA9] =	sst s1  }
0xa: {  	[smem:$0x3FAA] =	sst s2  }
0xb: {  	[smem:$0x3FAB] =	sst s3  }
0xc: {  	[smem:$0x3FAC] =	sst s4  }
0xd: {  	[smem:$0x3FAD] =	sst s5  }
0xe: {  	[smem:$0x3FAE] =	sst s6  }
0xf: {  	[smem:$0x3FAF] =	sst s7  }
0x10: {  	[smem:$0x3FB0] =	sst s8  }
0x11: {  	[smem:$0x3FB1] =	sst s9;
	s0 =	simm.s32 @!p0 $0x0  }
0x12: {  	s1 =	sld [smem:$0x3F97];
	s0 =	simm.s32 @p0 $0x1  }
0x13: {  	[smem:$0x3FB2] =	sst s0;
	s0 =	simm.s32 @!p1 $0x0  }
0x14: {  	s2 =	sld [smem:$0x3F96];
	s0 =	simm.s32 @p1 $0x1  }
0x15: {  	[smem:$0x3FB3] =	sst s0;
	s0 =	simm.s32 @!p2 $0x0  }
0x16: {  	s3 =	sld [smem:$0x3FDB];
	s0 =	simm.s32 @p2 $0x1  }
0x17: {  	s4 =	simm.s32 $0x1BF5;
	[smem:$0x3FB5] =	sst s0  }
0x18: {  	s0 =	sld [smem:$0x3F98];
	_ =	swait.ge [sflag:s4], $0x0  }
0x19: {  	s7 =	sld [smem:$0x3F99]  }
0x1a: {  	s8 =	sadd.s32 $0xFFFFE003, lr  }
0x1b: {  	s9 =	sadd.s32 $0xFFFFFEF7, lr;
	s5 =	simm.s32 $0xFFFFFFFF;
	p2 =	slt.u32 s8, $0xFFFFF086  }
0x1c: {  	p1 =	slt.u32 s9, $0xF7A;
	s5 =	simm.s32 @!p2 $0x0  }
0x1d: {  	s5 =	simm.s32 @p1 $0x1;
	p0 =	seq.s32 s7, s2  }
0x1e: {  	s7 =	smul.u32 @!p0 $0xF7A, s2;
	p2 =	seq.s32 @!p0 s5, $0x0  }
0x1f: {  	s9 =	smul.u32 $0xF7A, s1;
	s8 =	simm.s32 @!p0 $0x1BF5;
	p2 =	por !p2, p0  }
0x20: {  	[sflag:s8] =	ssyncset.s32 @!p0 $0xFFFFF086;
	s6 =	sadd.s32 @!p0 s3, s7;
	s7 =	simm.s32 @!p0 $0x108  }
0x21: {  	s3 =	sadd.s32 s3, s9;
	s6 =	sadd.s32 @!p0 $0x88, s6;
	s7 =	simm.s32 @p2 $0x1082  }
0x22: {  	[simem:s7], [sflag:s8] =	dma.local @!p0 [hbm:s6], $0xF7A  }
0x23: {  	s9 =	sor.u32 $0xD0000000, s2;
	s6 =	simm.s32 $0x108;
	_ =	swait.ge @!p0 [sflag:s8], $0x0  }
0x24: {  	s3 =	sadd.s32 $0x88, s3;
	s6 =	simm.s32 @!p1 $0x1082;
	[sflag:s4] =	ssyncset.s32 $0xFFFFF086  }
0x25: {  	[simem:s6], [sflag:s4] =	dma.local [hbm:s3], $0xF7A  }
0x26: {  	[smem:$0x3F99] =	sst s1;
	(tag) =	ssettag s2;
	_ =	strace s9  }
0x27: {  	s1 =	sld [smem:$0x3FA9]  }
0x28: {  	s2 =	sld [smem:$0x3FAA]  }
0x29: {  	s4 =	sld [smem:$0x3FAC]  }
0x2a: {  	p0 =	seq.s32 s5, $0x0;
	s5 =	sld [smem:$0x3FAD]  }
0x2b: {  	s6 =	sld [smem:$0x3FAE]  }
0x2c: {  	s7 =	sld [smem:$0x3FAF]  }
0x2d: {  	s3 =	simm.s32 $0x108;
	s8 =	sld [smem:$0x3FB0]  }
0x2e: {  	s3 =	simm.s32 @!p0 $0x1082;
	s9 =	sld [smem:$0x3FB1]  }
0x2f: {  	lr =	sadd.s32 s0, s3;
	s0 =	sld [smem:$0x3FA8]  }
0x30: {  	s3 =	sld [smem:$0x3FAB]  }
0x31: {  	[smem:$0x3FB4] =	sst s10  }
0x32: {  	s10 =	sld [smem:$0x3FB2];
	_ =	sdelay $0x3  }
0x33: {  	p0 =	seq.s32 s10, $0x1;
	s10 =	sld [smem:$0x3FB4];
	_ =	sdelay $0x3  }
0x34: {  	[smem:$0x3FB4] =	sst s10  }
0x35: {  	s10 =	sld [smem:$0x3FB3];
	_ =	sdelay $0x3  }
0x36: {  	p1 =	seq.s32 s10, $0x1;
	s10 =	sld [smem:$0x3FB4];
	_ =	sdelay $0x3  }
0x37: {  	[smem:$0x3FB4] =	sst s10  }
0x38: {  	s10 =	sld [smem:$0x3FB5]  }
0x39: {  	_ = 	snop;
	(pc) =	sbr.ind lr, $3  }
0x3a: {  	_ = 	snop  }
0x3b: {  	_ = 	snop  }
0x3c: {  	p2 =	seq.s32 s10, $0x1;
	s10 =	sld [smem:$0x3FB4]  }
0x3d: {  	_ =	shalt  }
0x3e: {  	_ =	shalt  }
0x3f: {  	_ =	shalt  }
0x40: {  	_ =	shalt  }
0x41: {  	_ =	shalt  }
0x42: {  	_ =	shalt  }
0x43: {  	_ =	shalt  }
0x44: {  	_ =	shalt  }
0x45: {  	_ =	shalt  }
0x46: {  	_ =	shalt  }
0x47: {  	_ =	shalt  }
0x48: {  	_ =	shalt  }
0x49: {  	_ =	shalt  }
0x4a: {  	_ =	shalt  }
0x4b: {  	_ =	shalt  }
0x4c: {  	_ =	shalt  }
0x4d: {  	_ =	shalt  }
0x4e: {  	_ =	shalt  }
0x4f: {  	_ =	shalt  }
0x50: {  	_ =	shalt  }
0x51: {  	_ =	shalt  }
0x52: {  	_ =	shalt  }
0x53: {  	_ =	shalt  }
0x54: {  	_ =	shalt  }
0x55: {  	_ =	shalt  }
0x56: {  	_ =	shalt  }
0x57: {  	_ =	shalt  }
0x58: {  	_ =	shalt  }
0x59: {  	_ =	shalt  }
0x5a: {  	_ =	shalt  }
0x5b: {  	_ =	shalt  }
0x5c: {  	_ =	shalt  }
0x5d: {  	_ =	shalt  }
0x5e: {  	_ =	shalt  }
0x5f: {  	_ =	shalt  }
0x60: {  	_ =	shalt  }
0x61: {  	_ =	shalt  }
0x62: {  	_ =	shalt  }
0x63: {  	_ =	shalt  }
0x64: {  	_ =	shalt  }
0x65: {  	_ =	shalt  }
0x66: {  	_ =	shalt  }
0x67: {  	_ =	shalt  }
0x68: {  	_ =	shalt  }
0x69: {  	_ =	shalt  }
0x6a: {  	_ =	shalt  }
0x6b: {  	_ =	shalt  }
0x6c: {  	_ =	shalt  }
0x6d: {  	_ =	shalt  }
0x6e: {  	_ =	shalt  }
0x6f: {  	_ =	shalt  }
0x70: {  	_ =	shalt  }
0x71: {  	_ =	shalt  }
0x72: {  	_ =	shalt  }
0x73: {  	_ =	shalt  }
0x74: {  	_ =	shalt  }
0x75: {  	_ =	shalt  }
0x76: {  	_ =	shalt  }
0x77: {  	_ =	shalt  }
0x78: {  	_ =	shalt  }
0x79: {  	_ =	shalt  }
0x7a: {  	_ =	shalt  }
0x7b: {  	_ =	shalt  }
0x7c: {  	_ =	shalt  }
0x7d: {  	_ =	shalt  }
0x7e: {  	_ =	shalt  }
0x7f: {  	_ =	shalt  }
0x80: {  	_ =	shalt  }
0x81: {  	_ =	shalt  }
0x82: {  	_ =	shalt  }
0x83: {  	_ =	shalt  }
0x84: {  	_ =	shalt  }
0x85: {  	_ =	shalt  }
0x86: {  	_ =	shalt  }
0x87: {  	_ =	shalt  }
.Lfunc_end0:
.L_simem_size_0:
called_computation_lowered:
.L_overlay_start_0:
0x88: {  	s2 =	sld [smem:$0x3FD9]  }
0x89: {  	s3 =	sld [smem:$0x3FFE];
	_ =	sdelay $0x1  }
0x8a: {  	s1 =	srdreg.scid  }
0x8b: {  	s0 =	sand.u32 $0x1, s1  }
0x8c: {  	s16 =	sshll.u32 s0, $0xA;
	s2 =	sadd.s32 s3, s2  }
0x8d: {  	s2 =	sadd.s32 s2, s16  }
0x8e: {  	[smem:$0x3FC0] =	sst s2  }
0x8f: {  	_ = 	snop  }
0x90: {  	(tm) =	ssettm $0x1  }
0x91: {  	s17 =	sld [smem:$0x3FFB];
	_ =	sdelay $0x3  }
0x92: {  	_ =	strace s17  }
0x93: {  	s2 =	sld [smem:$0x3FFC];
	_ =	sdelay $0x3  }
0x94: {  	_ =	strace s2  }
0x95: {  	s2 =	sld [smem:$0x3FFD];
	_ =	sdelay $0x3  }
0x96: {  	_ =	strace s2  }
0x97: {  	_ =	strace $0x8FFFFFFF  }
0x98: {  	s18 =	sld [smem:$0x3FDB];
	_ =	sdelay $0x1  }
0x99: {  	s19 =	simm.s32 $_scs_section_size  }
0x9a: {  	s4 =	simm.s32 $_size__tile_overlayer_lowered;
	s5 =	simm.s32 $_tile_overlayer_lowered  }
0x9b: {  	s22 =	simm.s32 $0x1BFF;
	s21 =	sshll.u32 s5, $0x1;
	s2 =	sadd.s32 s19, s18  }
0x9c: {  	s6 =	simm.s32 $0x0;
	s20 =	sshll.u32 s4, $0x1;
	s4 =	sadd.s32 s21, s2  }
0x9d: {  	[timem:s6], [sflag:s22] =	dma.local [hbm:s4], s20  }
0x9e: {  	_ =	swait.ge [sflag:s22], s20  }
0x9f: {  	s3 =	ssub.s32 $0x0, s20;
	[sflag:s22] =	ssyncset.done $0x0  }
0xa0: {  	[sflag:s22] =	ssyncadd.s32 s3;
	_ =	sdelay $0x1  }
0xa1: {  	s23 =	simm.s32 $0x1B8B  }
0xa2: {  	_ =	swait.ge [sflag:s23], $0x1  }
0xa3: {  	[sflag:s23] =	ssyncset.done $0x0  }
0xa4: {  	s25 =	simm.s32 $0x1B8E;
	s24 =	sld [smem:$0x3FFE];
	[sflag:s23] =	ssyncadd.s32 $0xFFFFFFFF  }
0xa5: {  	s26 =	simm.s32 $execute0_lowered;
	[smem:$0x3FD2] =	sst s25  }
0xa6: {  	s4 =	sshll.u32 s26, $0x1;
	_ =	strace $0x80000046;
	[dreg:$0x1] =	wrdreg $0xFFFFFFFF  }
0xa7: {  	s28 =	simm.s32 $_size_execute0_lowered;
	s2 =	sadd.s32 s2, s4;
	[dreg:$0x0] =	wrdreg $0x0  }
0xa8: {  	s4 =	sshll.u32 s28, $0x1;
	[dreg:$0x2] =	wrdreg s2  }
0xa9: {  	[dreg:$0x3] =	wrdreg s4  }
0xaa: {  	[dreg:$0x4] =	wrdreg $0xC0  }
0xab: {  	_ =	task [dreg:s6], $0x5FFFF  }
0xac: {  	[dreg:$0x1] =	wrdreg $0xFFFFFFFF  }
0xad: {  	[dreg:$0x0] =	wrdreg $0x60  }
0xae: {  	[dreg:$0x2] =	wrdreg s24  }
0xaf: {  	[dreg:$0x3] =	wrdreg $0x38000  }
0xb0: {  	[dreg:$0x4] =	wrdreg $0x9  }
0xb1: {  	_ =	task.clear_ibuf [dreg:s6], $0x5FFFF;
	_ =	strace $0x90000046  }
0xb2: {  	s29 =	simm.s32 $0x9;
	_ =	strace $0x80000048  }
0xb3: {  	_ =	swait.ge [sflag:s29], $0x1  }
0xb4: {  	[sflag:s29] =	ssyncadd.s32 $0xFFFFFFFF  }
0xb5: {  	_ =	strace $0x90000048  }
0xb6: {  	_ =	sfence  }
0xb7: {  	s30 =	sld [smem:$0x0];
	_ =	sdelay $0x2  }
0xb8: {  	s31 =	sshll.u32 s1, $0xD;
	s1 =	sshrl.u32 s1, $0x2  }
0xb9: {  	s3 =	sand.u32 $0x4000, s31;
	s1 =	sadd.s32 s1, s30  }
0xba: {  	s0 =	sor.u32 s3, s0;
	s1 =	sshll.u32 s1, $0x11  }
0xbb: {  	s0 =	sor.u32 s1, s0  }
0xbc: {  	s0 =	sadd.s32 $0x8F2B, s0  }
0xbd: {  	[sflag:s0] =	ssyncadd.remote.s32 $0x1  }
0xbe: {  	_ =	sfence.sel $0xFFFF  }
0xbf: {  	[dreg:$0x0] =	wrdreg $0xFFFFFFFF;
	(pc) =	sbr.abs _section_cstart, $3  }
0xc0: {  	[dreg:$0x1] =	wrdreg $0xFFFFFFFF  }
0xc1: {  	_ =	task.clear_ibuf [dreg:s6], $0x2FFFF;
	_ =	strace $0x9FFFFFFF  }
0xc2: {  	(tm) =	ssettm $0x7FFFFFFF  }
0xc3: {  	_ =	shalt  }
tec
execute0_lowered:
.L_overlay_start_1:
0x0: {  	(tag) =	ssettag $0x1  }
0x1: {  	s5 =	rddreg [dreg:$0x0]  }
0x2: {  	s0 =	srdreg.scid;
	s2 =	rddreg [dreg:$0x1]  }
0x3: {  	s3 =	simm.s32 $0x0;
	s4 =	sand.u32 $0x1, s0;
	s0 =	stileid.u32  }
0x4: {  	s13 =	simm.s32 $0x3000;
	s14 =	simm.s32 $0x80;
	s7 =	smul.u32 $0x2800, s0  }
0x5: {  	s15 =	simm.s32 $0x2800;
	[smem:$0x7FF] =	sst s3;
	s8 =	smul.u32 $0x28000, s4  }
0x6: {  	s1 =	sshll.u32 s4, $0x4;
	s9 =	smul.u32 $0xA000, s0;
	s4 =	ssub.s32 $0x2, s4  }
0x7: {  	s16 =	sshll.u32 s0, $0x6;
	s1 =	sor.u32 s0, s1;
	s10 =	sshrl.u32 s4, $0x1  }
0x8: {  	s16 =	sor.u32 $0x1C01, s16;
	s6 =	smul.u32 $0x500, s1;
	s1 =	rddreg [dreg:$0x2]  }
0x9: {  	_ =	strace $0x80000047;
	s8 =	sadd.s32 s7, s8;
	s9 =	sshrl.u32 s9, $0x2  }
0xa: {  	s12 =	ssub.s32 s4, s10;
	s8 =	sshrl.u32 s8, $0x3;
	s9 =	sadd.s32 s9, s2  }
0xb: {  	s6 =	sadd.s32 s6, s5;
	s11 =	sadd.s32 s8, s5;
	s5 =	sadd.s32 s7, s2  }
0xc: {  	s7 =	sadd.s32 $0x1000, s9;
	s8 =	sadd.s32 $0x1800, s9;
	s4 =	sadd.s32 $0x1800, s6  }
0xd: {  	s6 =	sadd.s32 $0x800, s9;
	s9 =	sadd.s32 $0x2000, s9;
	s10 =	sadd.s32 $0xB800, s11  }
0xe: {  	v0 =	vimm.f32 $1.000000000e+00;
	v1 =	vimm.f32 $0.0e+00;
	s11 =	smax.u32 s12, $0x1;
	s12 =	simm.s32 $0x1;
	s17 =	sshrl.u32 s5, $0x3  }
.LBB2_1:
0xf: {  	s18 =	simm.s32 $0x40;
	s19 =	simm.s32 $0x0  }
.LBB2_2:
0x10: {  	p0 =	sne.s32 s18, $0x1FC0;
	[tilespmem:s19+$0x2800] =	vst v0;
	s20 =	smov.u32 s18;
	s18 =	sadd.s32 $0x40, s18  }
.Ltmp0:
0x11: {  	[tilespmem:s19+$0x3000] =	vst v1;
	(pc) =	sbr.rel @p0 .LBB2_2-.Ltmp0, $2  }
0x12: {  	_ =	sdelay $0x2  }
0x13: {  	s19 =	sshra.s32 s20, $0x2  }
0x14: {  	[tilespmem:s19+$0x2800] =	vst v0  }
0x15: {  	[tilespmem:s19+$0x3000] =	vst v1;
	s18 =	simm.s32 $0x0  }
0x16: {  	[tilespmem:s18], [sflag:$0x1] =	stream.linear.gather [hbm4b:s4+s18], $0x2800, $0x38;
	[tilespmem:$0x6000] =	vst v63  }
0x17: {  	_ =	swait.ge [sflag:s12], $0x2800  }
0x18: {  	[sflag:s12] =	ssyncset.done $0x0  }
0x19: {  	[sflag:s12] =	ssyncadd.s32 $0xFFFFD800  }
0x1a: {  	[spmem:s5] =	stream.linear.scatter [tilespmem:s13], [sflag:$0x1], $0x800, $0x38;
	[tilespmem:$0x6000] =	vst v63  }
0x1b: {  	_ =	swait.ge [sflag:s12], $0x800  }
0x1c: {  	[sflag:s12] =	ssyncset.done $0x0  }
0x1d: {  	[sflag:s12] =	ssyncadd.s32 $0xFFFFF800  }
0x1e: {  	[spmem:s6] =	stream.linear.scatter [tilespmem:s13], [sflag:$0x1], $0x800, $0x38;
	[tilespmem:$0x6000] =	vst v63  }
0x1f: {  	_ =	swait.ge [sflag:s12], $0x800  }
0x20: {  	[sflag:s12] =	ssyncset.done $0x0  }
0x21: {  	[sflag:s12] =	ssyncadd.s32 $0xFFFFF800  }
0x22: {  	[spmem:s7] =	stream.linear.scatter [tilespmem:s13], [sflag:$0x1], $0x800, $0x38;
	[tilespmem:$0x6000] =	vst v63  }
0x23: {  	_ =	swait.ge [sflag:s12], $0x800  }
0x24: {  	[sflag:s12] =	ssyncset.done $0x0  }
0x25: {  	[sflag:s12] =	ssyncadd.s32 $0xFFFFF800  }
0x26: {  	[spmem:s8] =	stream.linear.scatter [tilespmem:s13], [sflag:$0x1], $0x800, $0x38;
	[tilespmem:$0x6000] =	vst v63  }
0x27: {  	_ =	swait.ge [sflag:s12], $0x800  }
0x28: {  	[sflag:s12] =	ssyncset.done $0x0  }
0x29: {  	[sflag:s12] =	ssyncadd.s32 $0xFFFFF800  }
0x2a: {  	[spmem:s9] =	stream.linear.scatter [tilespmem:s13], [sflag:$0x1], $0x800, $0x38;
	[tilespmem:$0x6000] =	vst v63  }
0x2b: {  	_ =	swait.ge [sflag:s12], $0x800  }
0x2c: {  	[sflag:s12] =	ssyncset.done $0x0  }
0x2d: {  	[sflag:s12] =	ssyncadd.s32 $0xFFFFF800  }
0x2e: {  	s31 =	simm.s32 $0x0;
	[bflag:$0x0] =	sbarrier.arrive $0xFFFF  }
0x2f: {  	[spmem:s2] =	stream.indirect.scatter.add.f32 [tilespmem:s15], [sflag:$0x1], $0x10, s31, s14, $0xb8;
	[tilespmem:$0x6000] =	vst v63  }
0x30: {  	_ =	swait.ge [sflag:s12], $0x800  }
0x31: {  	s18 =	simm.s32 $0x200;
	[sflag:s12] =	ssyncset.done $0x0  }
.LBB2_4:
0x32: {  	s19 =	sshra.s32 s18, $0x2;
	[sflag:s12] =	ssyncadd.s32 $0xFFFFF800;
	p0 =	sne.s32 s18, $0x9E00  }
0x33: {  	[spmem:s2] =	stream.indirect.scatter.add.f32 [tilespmem:s15], [sflag:$0x1], $0x10, s19, s14, $0xb8;
	[tilespmem:$0x6000] =	vst v63  }
.Ltmp1:
0x34: {  	_ = 	snop;
	(pc) =	sbr.rel @p0 .LBB2_4-.Ltmp1, $4  }
0x35: {  	_ = 	snop  }
0x36: {  	s18 =	sadd.s32 $0x200, s18  }
0x37: {  	_ =	swait.ge [sflag:s12], $0x800  }
0x38: {  	[sflag:s12] =	ssyncset.done $0x0  }
0x39: {  	s3 =	sadd.s32 $0x1, s3  }
0x3a: {  	[sflag:s12] =	ssyncadd.s32 $0xFFFFF800;
	p0 =	sne.s32 s3, s11  }
.Ltmp2:
0x3b: {  	[bflag:$0x0] =	sbarrier.arrive $0xFFFF;
	(pc) =	sbr.rel @p0 .LBB2_1-.Ltmp2, $4  }
0x3c: {  	[hbm:s10], [sflag:s16] =	dma.local [spmem:s17], $0x500  }
0x3d: {  	_ =	swait.ge [sflag:s12], $0x500  }
0x3e: {  	[sflag:s12] =	ssyncset.done $0x0  }
0x3f: {  	[sflag:s12] =	ssyncadd.s32 $0xFFFFFB00  }
0x40: {  	_ =	sfence.sel $0x180000  }
0x41: {  	[bflag:$0x0] =	sbarrier.arrive $0xFFFF  }
0x42: {  	p0 =	sne.s32 s0, $0x0;
	_ =	strace $0x90000047  }
0x43: {  	s0 =	sadd.s32 @!p0 $0x100000, s1;
	[bflag:$0x2] =	sbarrier.arrive $0xFFFF  }
0x44: {  	[sflag:s0] =	ssyncadd.tile.s32 @!p0 $0x1;
	_ =	shalt  }
.Lfunc_end2:
_tile_overlayer_lowered:
.L_overlay_start_2:
0x45: {  	(tag) =	ssettag $0x2  }
0x46: {  	s0 =	rddreg [dreg:$0x0];
	s2 =	stileid.u32  }
0x47: {  	s1 =	rddreg [dreg:$0x1];
	p0 =	sne.s32 s2, $0x0  }
0x48: {  	s3 =	rddreg [dreg:$0x2];
	[bflag:$0x3] =	sbarrier.arrive $0xFFFF;
	s2 =	simm.s32 @!p0 $0x1C01  }
0x49: {  	[timem:s3], [sflag:s2] =	dma.local @!p0 [hbm:s0], s1  }
0x4a: {  	s0 =	simm.s32 @!p0 $0x1  }
0x4b: {  	_ =	swait.ge @!p0 [sflag:s0], s1  }
0x4c: {  	s1 =	ssub.s32 @!p0 $0x0, s1;
	[sflag:s0] =	ssyncset.done @!p0 $0x0  }
0x4d: {  	[sflag:s0] =	ssyncadd.s32 @!p0 s1  }
0x4e: {  	[bflag:$0x3] =	sbarrier.arrive $0xFFFF  }
0x4f: {  	_ =	shalt  }

</sc_bundles>
